<compile_context>
chip_gen: v7x
topology: tpu7x:2x2x1
jax: 0.10.2.dev20260603
libtpu: 0.0.44.dev20260713+nightly
codegen_flags: <defaults>
</compile_context>

<pallas_src>
import numpy as np

import jax
import jax.numpy as jnp
from jax import lax
from jax.experimental import pallas as pl
from jax.experimental.pallas import tpu as pltpu

_B = 2
_C = 128
_H = 48
_W = 48
_A = 3
_STRIDE = 16
_SIZE = 256.0
_IMG = 768
_PRE = 1000
_POST = 100
_THR = 0.7
_ROWS = _H * _W
_K = 1024
_CLIP = float(np.log(1000.0 / 16.0))


def _anchor_table():
    ratios = np.array([0.5, 1.0, 2.0], np.float32)
    ws = _SIZE * np.sqrt(1.0 / ratios)
    hs = _SIZE * np.sqrt(ratios)
    base = np.stack([-0.5 * (ws - 1), -0.5 * (hs - 1),
                     0.5 * (ws - 1), 0.5 * (hs - 1)], axis=1)
    sx = np.arange(_W, dtype=np.float32) * _STRIDE
    sy = np.arange(_H, dtype=np.float32) * _STRIDE
    gy, gx = np.meshgrid(sy, sx, indexing="ij")
    shifts = np.stack([gx, gy, gx, gy], axis=-1)
    anc = shifts[:, :, None, :] + base[None, None, :, :]
    return jnp.asarray(anc.reshape(-1, 4))


def _conv_head_kernel(x_ref, w1_ref, b1_ref, wh_ref, bh_ref, out_ref):
    xp = x_ref[0]
    x9 = jnp.concatenate(
        [xp[dy:dy + _H, dx:dx + _W, :].reshape(_ROWS, _C)
         for dy in range(3) for dx in range(3)], axis=1)
    acc = lax.dot_general(
        x9, w1_ref[...], (((1,), (0,)), ((), ())),
        preferred_element_type=jnp.float32)
    t = jnp.maximum(acc + b1_ref[0], 0.0)
    h = lax.dot_general(
        t, wh_ref[...], (((1,), (0,)), ((), ())),
        preferred_element_type=jnp.float32) + bh_ref[0]
    col = lax.broadcasted_iota(jnp.int32, h.shape, 1)
    out_ref[0] = jnp.where(col < _A, jax.nn.sigmoid(h), h)


def _decode_from(get):
    wa = get(2) - get(0) + 1.0
    ha = get(3) - get(1) + 1.0
    cxa = get(0) + 0.5 * wa
    cya = get(1) + 0.5 * ha
    dx, dy = get(4), get(5)
    dw = jnp.minimum(get(6), _CLIP)
    dh = jnp.minimum(get(7), _CLIP)
    cx = dx * wa + cxa
    cy = dy * ha + cya
    pw = jnp.exp(dw) * wa
    ph = jnp.exp(dh) * ha
    lim_w = float(_IMG - 1)
    lim_h = float(_IMG - 1)
    x1 = jnp.clip(cx - 0.5 * pw, 0.0, lim_w)
    y1 = jnp.clip(cy - 0.5 * ph, 0.0, lim_h)
    x2 = jnp.clip(cx + 0.5 * pw - 1.0, 0.0, lim_w)
    y2 = jnp.clip(cy + 0.5 * ph - 1.0, 0.0, lim_h)
    return x1, y1, x2, y2


def _nms_kernel(adc_ref, adt_ref, sc_ref, boxes_ref, keep_ref, iou_ref):
    adc = adc_ref[0]
    adt = adt_ref[0]
    x1c, y1c, x2c, y2c = _decode_from(lambda i: adc[:, i:i + 1])
    x1r, y1r, x2r, y2r = _decode_from(lambda i: adt[i:i + 1, :])
    boxes_ref[0] = jnp.concatenate([x1c, y1c, x2c, y2c], axis=1)

    area_c = (x2c - x1c + 1.0) * (y2c - y1c + 1.0)
    area_r = (x2r - x1r + 1.0) * (y2r - y1r + 1.0)
    iw = jnp.maximum(jnp.minimum(x2c, x2r) - jnp.maximum(x1c, x1r) + 1.0, 0.0)
    ih = jnp.maximum(jnp.minimum(y2c, y2r) - jnp.maximum(y1c, y1r) + 1.0, 0.0)
    inter = iw * ih
    iou_ref[...] = inter / (area_c + area_r - inter)

    s = sc_ref[0]
    iota = lax.broadcasted_iota(jnp.int32, (1, _K), 1)

    def body(_, carry):
        active, keep = carry
        cand = jnp.where(active > 0.5, s, -1.0)
        m = jnp.max(cand)
        idx = jnp.min(jnp.where(cand == m, iota, _K))
        valid = m > -0.5
        row = iou_ref[pl.ds(idx, 1), :]
        selmask = ((iota == idx) & valid).astype(jnp.float32)
        keep = keep + selmask
        new_active = active * (row <= _THR).astype(jnp.float32)
        active = jnp.where(valid, new_active, active)
        return active, keep

    active0 = jnp.ones((1, _K), jnp.float32)
    keep0 = jnp.zeros((1, _K), jnp.float32)
    _, keep = lax.fori_loop(0, _POST, body, (active0, keep0))
    keep_ref[0] = keep


def kernel(images, features, W1, b1, W_obj, b_obj, W_box, b_box):
    xp = jnp.pad(jnp.transpose(features, (0, 2, 3, 1)),
                 ((0, 0), (1, 1), (1, 1), (0, 0)))

    w9 = jnp.transpose(W1, (2, 3, 1, 0)).reshape(9 * _C, _C)
    b1r = b1.reshape(1, _C)
    wh = jnp.concatenate([W_obj.reshape(_A, _C).T,
                          W_box.reshape(4 * _A, _C).T,
                          jnp.zeros((_C, 1), jnp.float32)], axis=1)
    bh = jnp.concatenate([b_obj, b_box,
                          jnp.zeros((1,), jnp.float32)]).reshape(1, 16)

    heads = pl.pallas_call(
        _conv_head_kernel,
        grid=(_B,),
        in_specs=[
            pl.BlockSpec((1, 50, 50, _C), lambda b: (b, 0, 0, 0)),
            pl.BlockSpec((9 * _C, _C), lambda b: (0, 0)),
            pl.BlockSpec((1, _C), lambda b: (0, 0)),
            pl.BlockSpec((_C, 16), lambda b: (0, 0)),
            pl.BlockSpec((1, 16), lambda b: (0, 0)),
        ],
        out_specs=pl.BlockSpec((1, _ROWS, 16), lambda b: (b, 0, 0)),
        out_shape=jax.ShapeDtypeStruct((_B, _ROWS, 16), jnp.float32),
    )(xp, w9, b1r, wh, bh)

    scores = heads[..., :_A].reshape(_B, _H * _W * _A)
    deltas = heads[..., _A:_A + 4 * _A].reshape(_B, _H * _W * _A, 4)

    anchors = _anchor_table()
    top_s, top_i = lax.top_k(scores, _PRE)
    anc_t = jnp.take(anchors, top_i, axis=0)
    del_t = jnp.take_along_axis(deltas, top_i[..., None], axis=1)

    adc = jnp.concatenate([anc_t, del_t], axis=-1)
    adc = jnp.pad(adc, ((0, 0), (0, _K - _PRE), (0, 0)))
    adt = jnp.transpose(adc, (0, 2, 1))
    sc3 = jnp.pad(top_s, ((0, 0), (0, _K - _PRE)),
                  constant_values=-1.0).reshape(_B, 1, _K)

    boxes_dec, keep = pl.pallas_call(
        _nms_kernel,
        grid=(_B,),
        in_specs=[
            pl.BlockSpec((1, _K, 8), lambda b: (b, 0, 0)),
            pl.BlockSpec((1, 8, _K), lambda b: (b, 0, 0)),
            pl.BlockSpec((1, 1, _K), lambda b: (b, 0, 0)),
        ],
        out_specs=[
            pl.BlockSpec((1, _K, 4), lambda b: (b, 0, 0)),
            pl.BlockSpec((1, 1, _K), lambda b: (b, 0, 0)),
        ],
        out_shape=[
            jax.ShapeDtypeStruct((_B, _K, 4), jnp.float32),
            jax.ShapeDtypeStruct((_B, 1, _K), jnp.float32),
        ],
        scratch_shapes=[pltpu.VMEM((_K, _K), jnp.float32)],
    )(adc, adt, sc3)

    kept_scores = jnp.where(keep[:, 0, :_PRE] > 0.5, top_s, -1.0)
    nms_s, idx = lax.top_k(kept_scores, _POST)
    nms_b = jnp.take_along_axis(boxes_dec[:, :_PRE, :], idx[..., None],
                                axis=1)
    return nms_b, nms_s

# --- scband reference (transcript-rebuilt; emitter-appended) ---
"""Pipeline reference for scband-rpnmodule-5102421148384 (READ-ONLY COPY).

The authoritative reference and input builder live on the scoring server;
editing this copy changes nothing except your own understanding.
"""

import jax, jax.numpy as jnp
import numpy as np
from jax import lax

B = 2; C = 128; H = 48; W = 48; A = 3
STRIDE = 16; SIZE = 256.0; IMG = 768
PRE = 1000; POST = 100; THR = 0.7


def setup_inputs(seed: int = 0):
    key = jax.random.key(seed)
    ks = jax.random.split(key, 8)
    features = jax.random.normal(ks[0], (B, C, H, W), jnp.float32)
    images = jax.random.normal(ks[1], (B, 3, IMG, IMG), jnp.float32)
    W1 = jax.random.normal(ks[2], (C, C, 3, 3), jnp.float32) * 0.03
    b1 = jnp.zeros((C,), jnp.float32)
    W_obj = jax.random.normal(ks[3], (A, C, 1, 1), jnp.float32) * 0.03
    b_obj = jnp.zeros((A,), jnp.float32)
    W_box = jax.random.normal(ks[4], (4 * A, C, 1, 1), jnp.float32) * 0.01
    b_box = jnp.zeros((4 * A,), jnp.float32)
    return {"images": images, "features": features, "W1": W1, "b1": b1,
            "W_obj": W_obj, "b_obj": b_obj, "W_box": W_box, "b_box": b_box}


def _conv(x, w, b, pad):
    y = lax.conv_general_dilated(x, w, (1, 1), [(pad, pad), (pad, pad)],
                                 dimension_numbers=("NCHW", "OIHW", "NCHW"))
    return y + b[None, :, None, None]


def _anchors(h, w):
    ratios = jnp.array([0.5, 1.0, 2.0], jnp.float32)
    ws = SIZE * jnp.sqrt(1.0 / ratios)
    hs = SIZE * jnp.sqrt(ratios)
    base = jnp.stack([-0.5 * (ws - 1), -0.5 * (hs - 1),
                      0.5 * (ws - 1), 0.5 * (hs - 1)], axis=1)  # [A,4]
    sx = jnp.arange(w, dtype=jnp.float32) * STRIDE
    sy = jnp.arange(h, dtype=jnp.float32) * STRIDE
    gy, gx = jnp.meshgrid(sy, sx, indexing="ij")
    shifts = jnp.stack([gx, gy, gx, gy], axis=-1)  # [h,w,4]
    anc = shifts[:, :, None, :] + base[None, None, :, :]  # [h,w,A,4]
    return anc.reshape(-1, 4)


def _decode(anchors, deltas):
    # BoxCoder with weights (1,1,1,1), TO_REMOVE=1 as in maskrcnn_benchmark
    wa = anchors[:, 2] - anchors[:, 0] + 1.0
    ha = anchors[:, 3] - anchors[:, 1] + 1.0
    cxa = anchors[:, 0] + 0.5 * wa
    cya = anchors[:, 1] + 0.5 * ha
    dx, dy = deltas[..., 0], deltas[..., 1]
    bbox_xform_clip = float(np.log(1000.0 / 16.0))
    dw = jnp.minimum(deltas[..., 2], bbox_xform_clip)
    dh = jnp.minimum(deltas[..., 3], bbox_xform_clip)
    cx = dx * wa + cxa
    cy = dy * ha + cya
    pw = jnp.exp(dw) * wa
    ph = jnp.exp(dh) * ha
    return jnp.stack([cx - 0.5 * pw, cy - 0.5 * ph,
                      cx + 0.5 * pw - 1.0, cy + 0.5 * ph - 1.0], axis=-1)


def _iou_matrix(b):
    x1, y1, x2, y2 = b[:, 0], b[:, 1], b[:, 2], b[:, 3]
    area = (x2 - x1 + 1.0) * (y2 - y1 + 1.0)
    xx1 = jnp.maximum(x1[:, None], x1[None, :])
    yy1 = jnp.maximum(y1[:, None], y1[None, :])
    xx2 = jnp.minimum(x2[:, None], x2[None, :])
    yy2 = jnp.minimum(y2[:, None], y2[None, :])
    iw = jnp.maximum(xx2 - xx1 + 1.0, 0.0)
    ih = jnp.maximum(yy2 - yy1 + 1.0, 0.0)
    inter = iw * ih
    return inter / (area[:, None] + area[None, :] - inter)


def _nms_single(boxes, scores):
    order = jnp.argsort(-scores)
    b = boxes[order]
    s = scores[order]
    iou = _iou_matrix(b)
    K = b.shape[0]
    ar = jnp.arange(K)

    def body(i, keep):
        suppressed = jnp.any((iou[i] > THR) & keep & (ar < i))
        return keep.at[i].set(jnp.logical_not(suppressed))

    keep = lax.fori_loop(0, K, body, jnp.zeros((K,), bool))
    kept_scores = jnp.where(keep, s, -1.0)
    top_s, idx = lax.top_k(kept_scores, POST)
    return b[idx], top_s


def _forward(images, features, W1, b1, W_obj, b_obj, W_box, b_box):
    t = jax.nn.relu(_conv(features, W1, b1, 1))
    obj = _conv(t, W_obj, b_obj, 0)   # [B,A,H,W]
    reg = _conv(t, W_box, b_box, 0)   # [B,4A,H,W]
    Bn, _, h, w = obj.shape
    N = h * w * A
    scores = jax.nn.sigmoid(obj.transpose(0, 2, 3, 1).reshape(Bn, N))
    deltas = reg.reshape(Bn, A, 4, h, w).transpose(0, 3, 4, 1, 2).reshape(Bn, N, 4)
    anchors = _anchors(h, w)
    boxes = _decode(anchors, deltas)
    im_w = images.shape[3] - 1
    im_h = images.shape[2] - 1
    boxes = jnp.stack([jnp.clip(boxes[..., 0], 0.0, im_w),
                       jnp.clip(boxes[..., 1], 0.0, im_h),
                       jnp.clip(boxes[..., 2], 0.0, im_w),
                       jnp.clip(boxes[..., 3], 0.0, im_h)], axis=-1)
    top_s, top_i = lax.top_k(scores, PRE)
    top_b = jnp.take_along_axis(boxes, top_i[..., None], axis=1)
    nms_b, nms_s = jax.vmap(_nms_single)(top_b, top_s)
    return nms_b, nms_s


def reference(images, features, W1, b1, W_obj, b_obj, W_box, b_box):
    return _forward(images, features, W1, b1, W_obj, b_obj, W_box, b_box)

if __name__ == "__main__":
    import jax
    _d = setup_inputs()
    print(jax.jit(kernel)(*tuple(_d.values())))

</pallas_src>

<mosaic_0001>
module attributes {stable_mosaic.version = 14 : i64} {
  func.func @_conv_head_kernel(%arg0: i32, %arg1: memref<1x50x50x128xf32, #tpu.memory_space<vmem>>, %arg2: memref<1152x128xf32, #tpu.memory_space<vmem>>, %arg3: memref<1x128xf32, #tpu.memory_space<vmem>>, %arg4: memref<128x16xf32, #tpu.memory_space<vmem>>, %arg5: memref<1x16xf32, #tpu.memory_space<vmem>>, %arg6: memref<1x2304x16xf32, #tpu.memory_space<vmem>>) attributes {dimension_semantics = [#tpu.dimension_semantics<arbitrary>], iteration_bounds = array<i64: 2>, scalar_prefetch = 0 : i64, scratch_operands = 0 : i64, tpu.core_type = #tpu.core_type<tc>, window_params = [{transform_indices = @transform_0, window_bounds = array<i64: 1, 50, 50, 128>}, {pipeline_mode = #tpu.pipeline_mode<synchronous>, transform_indices = @transform_1, window_bounds = array<i64: 1152, 128>}, {pipeline_mode = #tpu.pipeline_mode<synchronous>, transform_indices = @transform_2, window_bounds = array<i64: 1, 128>}, {pipeline_mode = #tpu.pipeline_mode<synchronous>, transform_indices = @transform_3, window_bounds = array<i64: 128, 16>}, {pipeline_mode = #tpu.pipeline_mode<synchronous>, transform_indices = @transform_4, window_bounds = array<i64: 1, 16>}, {transform_indices = @transform_5, window_bounds = array<i64: 1, 2304, 16>}]} {
    %get3A = arith.constant 0 : index
    %get3A_0 = arith.constant 0 : index
    %get3A_1 = arith.constant 0 : index
    %get3A_2 = arith.constant 0 : index
    %get3A_3 = vector.load %arg1[%get3A, %get3A_0, %get3A_1, %get3A_2] : memref<1x50x50x128xf32, #tpu.memory_space<vmem>>, vector<1x50x50x128xf32>
    %get3A_4 = vector.shape_cast %get3A_3 : vector<1x50x50x128xf32> to vector<50x50x128xf32>
    %slice3A = vector.extract_strided_slice %get3A_4 {offsets = [0, 0, 0], sizes = [48, 48, 128], strides = [1, 1, 1]} : vector<50x50x128xf32> to vector<48x48x128xf32>
    %reshape3A = vector.shape_cast %slice3A : vector<48x48x128xf32> to vector<2304x128xf32>
    %slice3A_5 = vector.extract_strided_slice %get3A_4 {offsets = [0, 1, 0], sizes = [48, 48, 128], strides = [1, 1, 1]} : vector<50x50x128xf32> to vector<48x48x128xf32>
    %reshape3A_6 = vector.shape_cast %slice3A_5 : vector<48x48x128xf32> to vector<2304x128xf32>
    %slice3A_7 = vector.extract_strided_slice %get3A_4 {offsets = [0, 2, 0], sizes = [48, 48, 128], strides = [1, 1, 1]} : vector<50x50x128xf32> to vector<48x48x128xf32>
    %reshape3A_8 = vector.shape_cast %slice3A_7 : vector<48x48x128xf32> to vector<2304x128xf32>
    %slice3A_9 = vector.extract_strided_slice %get3A_4 {offsets = [1, 0, 0], sizes = [48, 48, 128], strides = [1, 1, 1]} : vector<50x50x128xf32> to vector<48x48x128xf32>
    %reshape3A_10 = vector.shape_cast %slice3A_9 : vector<48x48x128xf32> to vector<2304x128xf32>
    %slice3A_11 = vector.extract_strided_slice %get3A_4 {offsets = [1, 1, 0], sizes = [48, 48, 128], strides = [1, 1, 1]} : vector<50x50x128xf32> to vector<48x48x128xf32>
    %reshape3A_12 = vector.shape_cast %slice3A_11 : vector<48x48x128xf32> to vector<2304x128xf32>
    %slice3A_13 = vector.extract_strided_slice %get3A_4 {offsets = [1, 2, 0], sizes = [48, 48, 128], strides = [1, 1, 1]} : vector<50x50x128xf32> to vector<48x48x128xf32>
    %reshape3A_14 = vector.shape_cast %slice3A_13 : vector<48x48x128xf32> to vector<2304x128xf32>
    %slice3A_15 = vector.extract_strided_slice %get3A_4 {offsets = [2, 0, 0], sizes = [48, 48, 128], strides = [1, 1, 1]} : vector<50x50x128xf32> to vector<48x48x128xf32>
    %reshape3A_16 = vector.shape_cast %slice3A_15 : vector<48x48x128xf32> to vector<2304x128xf32>
    %slice3A_17 = vector.extract_strided_slice %get3A_4 {offsets = [2, 1, 0], sizes = [48, 48, 128], strides = [1, 1, 1]} : vector<50x50x128xf32> to vector<48x48x128xf32>
    %reshape3A_18 = vector.shape_cast %slice3A_17 : vector<48x48x128xf32> to vector<2304x128xf32>
    %slice3A_19 = vector.extract_strided_slice %get3A_4 {offsets = [2, 2, 0], sizes = [48, 48, 128], strides = [1, 1, 1]} : vector<50x50x128xf32> to vector<48x48x128xf32>
    %reshape3A_20 = vector.shape_cast %slice3A_19 : vector<48x48x128xf32> to vector<2304x128xf32>
    %concatenate3A = tpu.concatenate %reshape3A, %reshape3A_6, %reshape3A_8, %reshape3A_10, %reshape3A_12, %reshape3A_14, %reshape3A_16, %reshape3A_18, %reshape3A_20 in 1 : vector<2304x128xf32>, vector<2304x128xf32>, vector<2304x128xf32>, vector<2304x128xf32>, vector<2304x128xf32>, vector<2304x128xf32>, vector<2304x128xf32>, vector<2304x128xf32>, vector<2304x128xf32> -> vector<2304x1152xf32>
    %get3A_21 = arith.constant 0 : index
    %get3A_22 = arith.constant 0 : index
    %get3A_23 = vector.load %arg2[%get3A_21, %get3A_22] : memref<1152x128xf32, #tpu.memory_space<vmem>>, vector<1152x128xf32>
    %dot_general3A = arith.constant dense<0.000000e+00> : vector<2304x128xf32>
    %dot_general3A_24 = tpu.matmul %concatenate3A, %get3A_23, %dot_general3A {dimension_numbers = #tpu.dot_dimension_numbers<[1], [0], [0], [1], [0, 0, 1, 1], [], []>, transpose_lhs_hint = false} : vector<2304x1152xf32>, vector<1152x128xf32>, vector<2304x128xf32> -> vector<2304x128xf32>
    %get3A_25 = arith.constant 0 : index
    %get3A_26 = arith.constant 0 : index
    %get3A_27 = vector.load %arg3[%get3A_25, %get3A_26] : memref<1x128xf32, #tpu.memory_space<vmem>>, vector<1x128xf32>
    %get3A_28 = vector.shape_cast %get3A_27 : vector<1x128xf32> to vector<128xf32>
    %broadcast_in_dim3A = vector.shape_cast %get3A_28 : vector<128xf32> to vector<1x128xf32>
    %add3A = vector.broadcast %broadcast_in_dim3A : vector<1x128xf32> to vector<2304x128xf32>
    %add3A_29 = arith.addf %dot_general3A_24, %add3A : vector<2304x128xf32>
    %max3A = arith.constant 0.000000e+00 : f32
    %max3A_30 = vector.broadcast %max3A : f32 to vector<2304x128xf32>
    %max3A_31 = arith.maximumf %add3A_29, %max3A_30 : vector<2304x128xf32>
    %get3A_32 = arith.constant 0 : index
    %get3A_33 = arith.constant 0 : index
    %get3A_34 = vector.load %arg4[%get3A_32, %get3A_33] : memref<128x16xf32, #tpu.memory_space<vmem>>, vector<128x16xf32>
    %dot_general3A_35 = arith.constant dense<0.000000e+00> : vector<2304x16xf32>
    %dot_general3A_36 = tpu.matmul %max3A_31, %get3A_34, %dot_general3A_35 {dimension_numbers = #tpu.dot_dimension_numbers<[1], [0], [0], [1], [0, 0, 1, 1], [], []>, transpose_lhs_hint = false} : vector<2304x128xf32>, vector<128x16xf32>, vector<2304x16xf32> -> vector<2304x16xf32>
    %get3A_37 = arith.constant 0 : index
    %get3A_38 = arith.constant 0 : index
    %get3A_39 = vector.load %arg5[%get3A_37, %get3A_38] : memref<1x16xf32, #tpu.memory_space<vmem>>, vector<1x16xf32>
    %get3A_40 = vector.shape_cast %get3A_39 : vector<1x16xf32> to vector<16xf32>
    %broadcast_in_dim3A_41 = vector.shape_cast %get3A_40 : vector<16xf32> to vector<1x16xf32>
    %add3A_42 = vector.broadcast %broadcast_in_dim3A_41 : vector<1x16xf32> to vector<2304x16xf32>
    %add3A_43 = arith.addf %dot_general3A_36, %add3A_42 : vector<2304x16xf32>
    %iota3A = tpu.iota {dimensions = array<i32: 1>} : vector<2304x16xi32>
    %lt3A = arith.constant 3 : i32
    %lt3A_44 = vector.broadcast %lt3A : i32 to vector<2304x16xi32>
    %lt3A_45 = arith.cmpi slt, %iota3A, %lt3A_44 : vector<2304x16xi32>
    %logistic3A = arith.negf %add3A_43 : vector<2304x16xf32>
    %logistic3A_46 = math.exp %logistic3A : vector<2304x16xf32>
    %logistic3A_47 = arith.constant 1.000000e+00 : f32
    %logistic3A_48 = vector.broadcast %logistic3A_47 : f32 to vector<2304x16xf32>
    %logistic3A_49 = arith.addf %logistic3A_48, %logistic3A_46 : vector<2304x16xf32>
    %logistic3A_50 = arith.divf %logistic3A_48, %logistic3A_49 : vector<2304x16xf32>
    %select_n3A = arith.select %lt3A_45, %logistic3A_50, %add3A_43 : vector<2304x16xi1>, vector<2304x16xf32>
    %swap3A = arith.constant 0 : index
    %swap3A_51 = arith.constant 0 : index
    %swap3A_52 = arith.constant 0 : index
    %swap3A_53 = vector.load %arg6[%swap3A, %swap3A_51, %swap3A_52] : memref<1x2304x16xf32, #tpu.memory_space<vmem>>, vector<1x2304x16xf32>
    %swap3A_54 = vector.shape_cast %swap3A_53 : vector<1x2304x16xf32> to vector<2304x16xf32>
    %swap3A_55 = vector.shape_cast %select_n3A : vector<2304x16xf32> to vector<1x2304x16xf32>
    tpu.vector_store %arg6[%swap3A, %swap3A_51, %swap3A_52], %swap3A_55 {strides = array<i32>} : memref<1x2304x16xf32, #tpu.memory_space<vmem>>, vector<1x2304x16xf32>,
    return
  }
  func.func @transform_0(%arg0: i32) -> (i32, i32, i32, i32) {
    %c0_i32 = arith.constant 0 : i32
    %c0_i32_0 = arith.constant 0 : i32
    %c0_i32_1 = arith.constant 0 : i32
    %c0_i32_2 = arith.constant 0 : i32
    return %arg0, %c0_i32, %c0_i32_0, %c0_i32_1 : i32, i32, i32, i32
  }
  func.func @transform_1(%arg0: i32) -> (i32, i32) {
    %c0_i32 = arith.constant 0 : i32
    %c0_i32_0 = arith.constant 0 : i32
    %c0_i32_1 = arith.constant 0 : i32
    return %c0_i32, %c0_i32_0 : i32, i32
  }
  func.func @transform_2(%arg0: i32) -> (i32, i32) {
    %c0_i32 = arith.constant 0 : i32
    %c0_i32_0 = arith.constant 0 : i32
    %c0_i32_1 = arith.constant 0 : i32
    return %c0_i32, %c0_i32_0 : i32, i32
  }
  func.func @transform_3(%arg0: i32) -> (i32, i32) {
    %c0_i32 = arith.constant 0 : i32
    %c0_i32_0 = arith.constant 0 : i32
    %c0_i32_1 = arith.constant 0 : i32
    return %c0_i32, %c0_i32_0 : i32, i32
  }
  func.func @transform_4(%arg0: i32) -> (i32, i32) {
    %c0_i32 = arith.constant 0 : i32
    %c0_i32_0 = arith.constant 0 : i32
    %c0_i32_1 = arith.constant 0 : i32
    return %c0_i32, %c0_i32_0 : i32, i32
  }
  func.func @transform_5(%arg0: i32) -> (i32, i32, i32) {
    %c0_i32 = arith.constant 0 : i32
    %c0_i32_0 = arith.constant 0 : i32
    %c0_i32_1 = arith.constant 0 : i32
    return %arg0, %c0_i32, %c0_i32_0 : i32, i32, i32
  }
}

module attributes {stable_mosaic.version = 14 : i64} {
  func.func @_nms_kernel(%arg0: i32, %arg1: memref<1x1024x8xf32, #tpu.memory_space<vmem>>, %arg2: memref<1x8x1024xf32, #tpu.memory_space<vmem>>, %arg3: memref<1x1x1024xf32, #tpu.memory_space<vmem>>, %arg4: memref<1x1024x4xf32, #tpu.memory_space<vmem>>, %arg5: memref<1x1x1024xf32, #tpu.memory_space<vmem>>, %arg6: memref<1024x1024xf32, #tpu.memory_space<vmem>>) attributes {dimension_semantics = [#tpu.dimension_semantics<arbitrary>], iteration_bounds = array<i64: 2>, scalar_prefetch = 0 : i64, scratch_operands = 1 : i64, tpu.core_type = #tpu.core_type<tc>, window_params = [{transform_indices = @transform_0, window_bounds = array<i64: 1, 1024, 8>}, {transform_indices = @transform_1, window_bounds = array<i64: 1, 8, 1024>}, {transform_indices = @transform_2, window_bounds = array<i64: 1, 1, 1024>}, {transform_indices = @transform_3, window_bounds = array<i64: 1, 1024, 4>}, {transform_indices = @transform_4, window_bounds = array<i64: 1, 1, 1024>}]} {
    %get3A = arith.constant 0 : index
    %get3A_0 = arith.constant 0 : index
    %get3A_1 = arith.constant 0 : index
    %get3A_2 = vector.load %arg1[%get3A, %get3A_0, %get3A_1] : memref<1x1024x8xf32, #tpu.memory_space<vmem>>, vector<1x1024x8xf32>
    %get3A_3 = vector.shape_cast %get3A_2 : vector<1x1024x8xf32> to vector<1024x8xf32>
    %get3A_4 = arith.constant 0 : index
    %get3A_5 = arith.constant 0 : index
    %get3A_6 = arith.constant 0 : index
    %get3A_7 = vector.load %arg2[%get3A_4, %get3A_5, %get3A_6] : memref<1x8x1024xf32, #tpu.memory_space<vmem>>, vector<1x8x1024xf32>
    %get3A_8 = vector.shape_cast %get3A_7 : vector<1x8x1024xf32> to vector<8x1024xf32>
    %slice3A = vector.extract_strided_slice %get3A_3 {offsets = [0, 2], sizes = [1024, 1], strides = [1, 1]} : vector<1024x8xf32> to vector<1024x1xf32>
    %slice3A_9 = vector.extract_strided_slice %get3A_3 {offsets = [0, 0], sizes = [1024, 1], strides = [1, 1]} : vector<1024x8xf32> to vector<1024x1xf32>
    %sub3A = arith.subf %slice3A, %slice3A_9 : vector<1024x1xf32>
    %add3A = arith.constant 1.000000e+00 : f32
    %add3A_10 = vector.broadcast %add3A : f32 to vector<1024x1xf32>
    %add3A_11 = arith.addf %sub3A, %add3A_10 : vector<1024x1xf32>
    %slice3A_12 = vector.extract_strided_slice %get3A_3 {offsets = [0, 3], sizes = [1024, 1], strides = [1, 1]} : vector<1024x8xf32> to vector<1024x1xf32>
    %slice3A_13 = vector.extract_strided_slice %get3A_3 {offsets = [0, 1], sizes = [1024, 1], strides = [1, 1]} : vector<1024x8xf32> to vector<1024x1xf32>
    %sub3A_14 = arith.subf %slice3A_12, %slice3A_13 : vector<1024x1xf32>
    %add3A_15 = arith.constant 1.000000e+00 : f32
    %add3A_16 = vector.broadcast %add3A_15 : f32 to vector<1024x1xf32>
    %add3A_17 = arith.addf %sub3A_14, %add3A_16 : vector<1024x1xf32>
    %slice3A_18 = vector.extract_strided_slice %get3A_3 {offsets = [0, 0], sizes = [1024, 1], strides = [1, 1]} : vector<1024x8xf32> to vector<1024x1xf32>
    %mul3A = arith.constant 5.000000e-01 : f32
    %mul3A_19 = vector.broadcast %mul3A : f32 to vector<1024x1xf32>
    %mul3A_20 = arith.mulf %mul3A_19, %add3A_11 : vector<1024x1xf32>
    %add3A_21 = arith.addf %slice3A_18, %mul3A_20 : vector<1024x1xf32>
    %slice3A_22 = vector.extract_strided_slice %get3A_3 {offsets = [0, 1], sizes = [1024, 1], strides = [1, 1]} : vector<1024x8xf32> to vector<1024x1xf32>
    %mul3A_23 = arith.constant 5.000000e-01 : f32
    %mul3A_24 = vector.broadcast %mul3A_23 : f32 to vector<1024x1xf32>
    %mul3A_25 = arith.mulf %mul3A_24, %add3A_17 : vector<1024x1xf32>
    %add3A_26 = arith.addf %slice3A_22, %mul3A_25 : vector<1024x1xf32>
    %slice3A_27 = vector.extract_strided_slice %get3A_3 {offsets = [0, 4], sizes = [1024, 1], strides = [1, 1]} : vector<1024x8xf32> to vector<1024x1xf32>
    %slice3A_28 = vector.extract_strided_slice %get3A_3 {offsets = [0, 5], sizes = [1024, 1], strides = [1, 1]} : vector<1024x8xf32> to vector<1024x1xf32>
    %slice3A_29 = vector.extract_strided_slice %get3A_3 {offsets = [0, 6], sizes = [1024, 1], strides = [1, 1]} : vector<1024x8xf32> to vector<1024x1xf32>
    %min3A = arith.constant 4.13516665 : f32
    %min3A_30 = vector.broadcast %min3A : f32 to vector<1024x1xf32>
    %min3A_31 = arith.minimumf %slice3A_29, %min3A_30 : vector<1024x1xf32>
    %slice3A_32 = vector.extract_strided_slice %get3A_3 {offsets = [0, 7], sizes = [1024, 1], strides = [1, 1]} : vector<1024x8xf32> to vector<1024x1xf32>
    %min3A_33 = arith.constant 4.13516665 : f32
    %min3A_34 = vector.broadcast %min3A_33 : f32 to vector<1024x1xf32>
    %min3A_35 = arith.minimumf %slice3A_32, %min3A_34 : vector<1024x1xf32>
    %mul3A_36 = arith.mulf %slice3A_27, %add3A_11 : vector<1024x1xf32>
    %add3A_37 = arith.addf %mul3A_36, %add3A_21 : vector<1024x1xf32>
    %mul3A_38 = arith.mulf %slice3A_28, %add3A_17 : vector<1024x1xf32>
    %add3A_39 = arith.addf %mul3A_38, %add3A_26 : vector<1024x1xf32>
    %exp3A = math.exp %min3A_31 : vector<1024x1xf32>
    %mul3A_40 = arith.mulf %exp3A, %add3A_11 : vector<1024x1xf32>
    %exp3A_41 = math.exp %min3A_35 : vector<1024x1xf32>
    %mul3A_42 = arith.mulf %exp3A_41, %add3A_17 : vector<1024x1xf32>
    %mul3A_43 = arith.constant 5.000000e-01 : f32
    %mul3A_44 = vector.broadcast %mul3A_43 : f32 to vector<1024x1xf32>
    %mul3A_45 = arith.mulf %mul3A_44, %mul3A_40 : vector<1024x1xf32>
    %sub3A_46 = arith.subf %add3A_37, %mul3A_45 : vector<1024x1xf32>
    %jit3A = arith.constant 0.000000e+00 : f32
    %jit3A_47 = arith.constant 7.670000e+02 : f32
    %max3A = vector.broadcast %jit3A : f32 to vector<1024x1xf32>
    %max3A_48 = arith.maximumf %max3A, %sub3A_46 : vector<1024x1xf32>
    %min3A_49 = vector.broadcast %jit3A_47 : f32 to vector<1024x1xf32>
    %min3A_50 = arith.minimumf %min3A_49, %max3A_48 : vector<1024x1xf32>
    %mul3A_51 = arith.constant 5.000000e-01 : f32
    %mul3A_52 = vector.broadcast %mul3A_51 : f32 to vector<1024x1xf32>
    %mul3A_53 = arith.mulf %mul3A_52, %mul3A_42 : vector<1024x1xf32>
    %sub3A_54 = arith.subf %add3A_39, %mul3A_53 : vector<1024x1xf32>
    %jit3A_55 = arith.constant 0.000000e+00 : f32
    %jit3A_56 = arith.constant 7.670000e+02 : f32
    %max3A_57 = vector.broadcast %jit3A_55 : f32 to vector<1024x1xf32>
    %max3A_58 = arith.maximumf %max3A_57, %sub3A_54 : vector<1024x1xf32>
    %min3A_59 = vector.broadcast %jit3A_56 : f32 to vector<1024x1xf32>
    %min3A_60 = arith.minimumf %min3A_59, %max3A_58 : vector<1024x1xf32>
    %mul3A_61 = arith.constant 5.000000e-01 : f32
    %mul3A_62 = vector.broadcast %mul3A_61 : f32 to vector<1024x1xf32>
    %mul3A_63 = arith.mulf %mul3A_62, %mul3A_40 : vector<1024x1xf32>
    %add3A_64 = arith.addf %add3A_37, %mul3A_63 : vector<1024x1xf32>
    %sub3A_65 = arith.constant 1.000000e+00 : f32
    %sub3A_66 = vector.broadcast %sub3A_65 : f32 to vector<1024x1xf32>
    %sub3A_67 = arith.subf %add3A_64, %sub3A_66 : vector<1024x1xf32>
    %jit3A_68 = arith.constant 0.000000e+00 : f32
    %jit3A_69 = arith.constant 7.670000e+02 : f32
    %max3A_70 = vector.broadcast %jit3A_68 : f32 to vector<1024x1xf32>
    %max3A_71 = arith.maximumf %max3A_70, %sub3A_67 : vector<1024x1xf32>
    %min3A_72 = vector.broadcast %jit3A_69 : f32 to vector<1024x1xf32>
    %min3A_73 = arith.minimumf %min3A_72, %max3A_71 : vector<1024x1xf32>
    %mul3A_74 = arith.constant 5.000000e-01 : f32
    %mul3A_75 = vector.broadcast %mul3A_74 : f32 to vector<1024x1xf32>
    %mul3A_76 = arith.mulf %mul3A_75, %mul3A_42 : vector<1024x1xf32>
    %add3A_77 = arith.addf %add3A_39, %mul3A_76 : vector<1024x1xf32>
    %sub3A_78 = arith.constant 1.000000e+00 : f32
    %sub3A_79 = vector.broadcast %sub3A_78 : f32 to vector<1024x1xf32>
    %sub3A_80 = arith.subf %add3A_77, %sub3A_79 : vector<1024x1xf32>
    %jit3A_81 = arith.constant 0.000000e+00 : f32
    %jit3A_82 = arith.constant 7.670000e+02 : f32
    %max3A_83 = vector.broadcast %jit3A_81 : f32 to vector<1024x1xf32>
    %max3A_84 = arith.maximumf %max3A_83, %sub3A_80 : vector<1024x1xf32>
    %min3A_85 = vector.broadcast %jit3A_82 : f32 to vector<1024x1xf32>
    %min3A_86 = arith.minimumf %min3A_85, %max3A_84 : vector<1024x1xf32>
    %slice3A_87 = vector.extract_strided_slice %get3A_8 {offsets = [2, 0], sizes = [1, 1024], strides = [1, 1]} : vector<8x1024xf32> to vector<1x1024xf32>
    %slice3A_88 = vector.extract_strided_slice %get3A_8 {offsets = [0, 0], sizes = [1, 1024], strides = [1, 1]} : vector<8x1024xf32> to vector<1x1024xf32>
    %sub3A_89 = arith.subf %slice3A_87, %slice3A_88 : vector<1x1024xf32>
    %add3A_90 = arith.constant 1.000000e+00 : f32
    %add3A_91 = vector.broadcast %add3A_90 : f32 to vector<1x1024xf32>
    %add3A_92 = arith.addf %sub3A_89, %add3A_91 : vector<1x1024xf32>
    %slice3A_93 = vector.extract_strided_slice %get3A_8 {offsets = [3, 0], sizes = [1, 1024], strides = [1, 1]} : vector<8x1024xf32> to vector<1x1024xf32>
    %slice3A_94 = vector.extract_strided_slice %get3A_8 {offsets = [1, 0], sizes = [1, 1024], strides = [1, 1]} : vector<8x1024xf32> to vector<1x1024xf32>
    %sub3A_95 = arith.subf %slice3A_93, %slice3A_94 : vector<1x1024xf32>
    %add3A_96 = arith.constant 1.000000e+00 : f32
    %add3A_97 = vector.broadcast %add3A_96 : f32 to vector<1x1024xf32>
    %add3A_98 = arith.addf %sub3A_95, %add3A_97 : vector<1x1024xf32>
    %slice3A_99 = vector.extract_strided_slice %get3A_8 {offsets = [0, 0], sizes = [1, 1024], strides = [1, 1]} : vector<8x1024xf32> to vector<1x1024xf32>
    %mul3A_100 = arith.constant 5.000000e-01 : f32
    %mul3A_101 = vector.broadcast %mul3A_100 : f32 to vector<1x1024xf32>
    %mul3A_102 = arith.mulf %mul3A_101, %add3A_92 : vector<1x1024xf32>
    %add3A_103 = arith.addf %slice3A_99, %mul3A_102 : vector<1x1024xf32>
    %slice3A_104 = vector.extract_strided_slice %get3A_8 {offsets = [1, 0], sizes = [1, 1024], strides = [1, 1]} : vector<8x1024xf32> to vector<1x1024xf32>
    %mul3A_105 = arith.constant 5.000000e-01 : f32
    %mul3A_106 = vector.broadcast %mul3A_105 : f32 to vector<1x1024xf32>
    %mul3A_107 = arith.mulf %mul3A_106, %add3A_98 : vector<1x1024xf32>
    %add3A_108 = arith.addf %slice3A_104, %mul3A_107 : vector<1x1024xf32>
    %slice3A_109 = vector.extract_strided_slice %get3A_8 {offsets = [4, 0], sizes = [1, 1024], strides = [1, 1]} : vector<8x1024xf32> to vector<1x1024xf32>
    %slice3A_110 = vector.extract_strided_slice %get3A_8 {offsets = [5, 0], sizes = [1, 1024], strides = [1, 1]} : vector<8x1024xf32> to vector<1x1024xf32>
    %slice3A_111 = vector.extract_strided_slice %get3A_8 {offsets = [6, 0], sizes = [1, 1024], strides = [1, 1]} : vector<8x1024xf32> to vector<1x1024xf32>
    %min3A_112 = arith.constant 4.13516665 : f32
    %min3A_113 = vector.broadcast %min3A_112 : f32 to vector<1x1024xf32>
    %min3A_114 = arith.minimumf %slice3A_111, %min3A_113 : vector<1x1024xf32>
    %slice3A_115 = vector.extract_strided_slice %get3A_8 {offsets = [7, 0], sizes = [1, 1024], strides = [1, 1]} : vector<8x1024xf32> to vector<1x1024xf32>
    %min3A_116 = arith.constant 4.13516665 : f32
    %min3A_117 = vector.broadcast %min3A_116 : f32 to vector<1x1024xf32>
    %min3A_118 = arith.minimumf %slice3A_115, %min3A_117 : vector<1x1024xf32>
    %mul3A_119 = arith.mulf %slice3A_109, %add3A_92 : vector<1x1024xf32>
    %add3A_120 = arith.addf %mul3A_119, %add3A_103 : vector<1x1024xf32>
    %mul3A_121 = arith.mulf %slice3A_110, %add3A_98 : vector<1x1024xf32>
    %add3A_122 = arith.addf %mul3A_121, %add3A_108 : vector<1x1024xf32>
    %exp3A_123 = math.exp %min3A_114 : vector<1x1024xf32>
    %mul3A_124 = arith.mulf %exp3A_123, %add3A_92 : vector<1x1024xf32>
    %exp3A_125 = math.exp %min3A_118 : vector<1x1024xf32>
    %mul3A_126 = arith.mulf %exp3A_125, %add3A_98 : vector<1x1024xf32>
    %mul3A_127 = arith.constant 5.000000e-01 : f32
    %mul3A_128 = vector.broadcast %mul3A_127 : f32 to vector<1x1024xf32>
    %mul3A_129 = arith.mulf %mul3A_128, %mul3A_124 : vector<1x1024xf32>
    %sub3A_130 = arith.subf %add3A_120, %mul3A_129 : vector<1x1024xf32>
    %jit3A_131 = arith.constant 0.000000e+00 : f32
    %jit3A_132 = arith.constant 7.670000e+02 : f32
    %max3A_133 = vector.broadcast %jit3A_131 : f32 to vector<1x1024xf32>
    %max3A_134 = arith.maximumf %max3A_133, %sub3A_130 : vector<1x1024xf32>
    %min3A_135 = vector.broadcast %jit3A_132 : f32 to vector<1x1024xf32>
    %min3A_136 = arith.minimumf %min3A_135, %max3A_134 : vector<1x1024xf32>
    %mul3A_137 = arith.constant 5.000000e-01 : f32
    %mul3A_138 = vector.broadcast %mul3A_137 : f32 to vector<1x1024xf32>
    %mul3A_139 = arith.mulf %mul3A_138, %mul3A_126 : vector<1x1024xf32>
    %sub3A_140 = arith.subf %add3A_122, %mul3A_139 : vector<1x1024xf32>
    %jit3A_141 = arith.constant 0.000000e+00 : f32
    %jit3A_142 = arith.constant 7.670000e+02 : f32
    %max3A_143 = vector.broadcast %jit3A_141 : f32 to vector<1x1024xf32>
    %max3A_144 = arith.maximumf %max3A_143, %sub3A_140 : vector<1x1024xf32>
    %min3A_145 = vector.broadcast %jit3A_142 : f32 to vector<1x1024xf32>
    %min3A_146 = arith.minimumf %min3A_145, %max3A_144 : vector<1x1024xf32>
    %mul3A_147 = arith.constant 5.000000e-01 : f32
    %mul3A_148 = vector.broadcast %mul3A_147 : f32 to vector<1x1024xf32>
    %mul3A_149 = arith.mulf %mul3A_148, %mul3A_124 : vector<1x1024xf32>
    %add3A_150 = arith.addf %add3A_120, %mul3A_149 : vector<1x1024xf32>
    %sub3A_151 = arith.constant 1.000000e+00 : f32
    %sub3A_152 = vector.broadcast %sub3A_151 : f32 to vector<1x1024xf32>
    %sub3A_153 = arith.subf %add3A_150, %sub3A_152 : vector<1x1024xf32>
    %jit3A_154 = arith.constant 0.000000e+00 : f32
    %jit3A_155 = arith.constant 7.670000e+02 : f32
    %max3A_156 = vector.broadcast %jit3A_154 : f32 to vector<1x1024xf32>
    %max3A_157 = arith.maximumf %max3A_156, %sub3A_153 : vector<1x1024xf32>
    %min3A_158 = vector.broadcast %jit3A_155 : f32 to vector<1x1024xf32>
    %min3A_159 = arith.minimumf %min3A_158, %max3A_157 : vector<1x1024xf32>
    %mul3A_160 = arith.constant 5.000000e-01 : f32
    %mul3A_161 = vector.broadcast %mul3A_160 : f32 to vector<1x1024xf32>
    %mul3A_162 = arith.mulf %mul3A_161, %mul3A_126 : vector<1x1024xf32>
    %add3A_163 = arith.addf %add3A_122, %mul3A_162 : vector<1x1024xf32>
    %sub3A_164 = arith.constant 1.000000e+00 : f32
    %sub3A_165 = vector.broadcast %sub3A_164 : f32 to vector<1x1024xf32>
    %sub3A_166 = arith.subf %add3A_163, %sub3A_165 : vector<1x1024xf32>
    %jit3A_167 = arith.constant 0.000000e+00 : f32
    %jit3A_168 = arith.constant 7.670000e+02 : f32
    %max3A_169 = vector.broadcast %jit3A_167 : f32 to vector<1x1024xf32>
    %max3A_170 = arith.maximumf %max3A_169, %sub3A_166 : vector<1x1024xf32>
    %min3A_171 = vector.broadcast %jit3A_168 : f32 to vector<1x1024xf32>
    %min3A_172 = arith.minimumf %min3A_171, %max3A_170 : vector<1x1024xf32>
    %concatenate3A = tpu.concatenate %min3A_50, %min3A_60, %min3A_73, %min3A_86 in 1 : vector<1024x1xf32>, vector<1024x1xf32>, vector<1024x1xf32>, vector<1024x1xf32> -> vector<1024x4xf32>
    %swap3A = arith.constant 0 : index
    %swap3A_173 = arith.constant 0 : index
    %swap3A_174 = arith.constant 0 : index
    %swap3A_175 = vector.load %arg4[%swap3A, %swap3A_173, %swap3A_174] : memref<1x1024x4xf32, #tpu.memory_space<vmem>>, vector<1x1024x4xf32>
    %swap3A_176 = vector.shape_cast %swap3A_175 : vector<1x1024x4xf32> to vector<1024x4xf32>
    %swap3A_177 = vector.shape_cast %concatenate3A : vector<1024x4xf32> to vector<1x1024x4xf32>
    tpu.vector_store %arg4[%swap3A, %swap3A_173, %swap3A_174], %swap3A_177 {strides = array<i32>} : memref<1x1024x4xf32, #tpu.memory_space<vmem>>, vector<1x1024x4xf32>,
    %sub3A_178 = arith.subf %min3A_73, %min3A_50 : vector<1024x1xf32>
    %add3A_179 = arith.constant 1.000000e+00 : f32
    %add3A_180 = vector.broadcast %add3A_179 : f32 to vector<1024x1xf32>
    %add3A_181 = arith.addf %sub3A_178, %add3A_180 : vector<1024x1xf32>
    %sub3A_182 = arith.subf %min3A_86, %min3A_60 : vector<1024x1xf32>
    %add3A_183 = arith.constant 1.000000e+00 : f32
    %add3A_184 = vector.broadcast %add3A_183 : f32 to vector<1024x1xf32>
    %add3A_185 = arith.addf %sub3A_182, %add3A_184 : vector<1024x1xf32>
    %mul3A_186 = arith.mulf %add3A_181, %add3A_185 : vector<1024x1xf32>
    %sub3A_187 = arith.subf %min3A_159, %min3A_136 : vector<1x1024xf32>
    %add3A_188 = arith.constant 1.000000e+00 : f32
    %add3A_189 = vector.broadcast %add3A_188 : f32 to vector<1x1024xf32>
    %add3A_190 = arith.addf %sub3A_187, %add3A_189 : vector<1x1024xf32>
    %sub3A_191 = arith.subf %min3A_172, %min3A_146 : vector<1x1024xf32>
    %add3A_192 = arith.constant 1.000000e+00 : f32
    %add3A_193 = vector.broadcast %add3A_192 : f32 to vector<1x1024xf32>
    %add3A_194 = arith.addf %sub3A_191, %add3A_193 : vector<1x1024xf32>
    %mul3A_195 = arith.mulf %add3A_190, %add3A_194 : vector<1x1024xf32>
    %min3A_196 = vector.broadcast %min3A_73 : vector<1024x1xf32> to vector<1024x1024xf32>
    %min3A_197 = vector.broadcast %min3A_159 : vector<1x1024xf32> to vector<1024x1024xf32>
    %min3A_198 = arith.minimumf %min3A_196, %min3A_197 : vector<1024x1024xf32>
    %max3A_199 = vector.broadcast %min3A_50 : vector<1024x1xf32> to vector<1024x1024xf32>
    %max3A_200 = vector.broadcast %min3A_136 : vector<1x1024xf32> to vector<1024x1024xf32>
    %max3A_201 = arith.maximumf %max3A_199, %max3A_200 : vector<1024x1024xf32>
    %sub3A_202 = arith.subf %min3A_198, %max3A_201 : vector<1024x1024xf32>
    %add3A_203 = arith.constant 1.000000e+00 : f32
    %add3A_204 = vector.broadcast %add3A_203 : f32 to vector<1024x1024xf32>
    %add3A_205 = arith.addf %sub3A_202, %add3A_204 : vector<1024x1024xf32>
    %max3A_206 = arith.constant 0.000000e+00 : f32
    %max3A_207 = vector.broadcast %max3A_206 : f32 to vector<1024x1024xf32>
    %max3A_208 = arith.maximumf %add3A_205, %max3A_207 : vector<1024x1024xf32>
    %min3A_209 = vector.broadcast %min3A_86 : vector<1024x1xf32> to vector<1024x1024xf32>
    %min3A_210 = vector.broadcast %min3A_172 : vector<1x1024xf32> to vector<1024x1024xf32>
    %min3A_211 = arith.minimumf %min3A_209, %min3A_210 : vector<1024x1024xf32>
    %max3A_212 = vector.broadcast %min3A_60 : vector<1024x1xf32> to vector<1024x1024xf32>
    %max3A_213 = vector.broadcast %min3A_146 : vector<1x1024xf32> to vector<1024x1024xf32>
    %max3A_214 = arith.maximumf %max3A_212, %max3A_213 : vector<1024x1024xf32>
    %sub3A_215 = arith.subf %min3A_211, %max3A_214 : vector<1024x1024xf32>
    %add3A_216 = arith.constant 1.000000e+00 : f32
    %add3A_217 = vector.broadcast %add3A_216 : f32 to vector<1024x1024xf32>
    %add3A_218 = arith.addf %sub3A_215, %add3A_217 : vector<1024x1024xf32>
    %max3A_219 = arith.constant 0.000000e+00 : f32
    %max3A_220 = vector.broadcast %max3A_219 : f32 to vector<1024x1024xf32>
    %max3A_221 = arith.maximumf %add3A_218, %max3A_220 : vector<1024x1024xf32>
    %mul3A_222 = arith.mulf %max3A_208, %max3A_221 : vector<1024x1024xf32>
    %add3A_223 = vector.broadcast %mul3A_186 : vector<1024x1xf32> to vector<1024x1024xf32>
    %add3A_224 = vector.broadcast %mul3A_195 : vector<1x1024xf32> to vector<1024x1024xf32>
    %add3A_225 = arith.addf %add3A_223, %add3A_224 : vector<1024x1024xf32>
    %sub3A_226 = arith.subf %add3A_225, %mul3A_222 : vector<1024x1024xf32>
    %div3A = arith.divf %mul3A_222, %sub3A_226 : vector<1024x1024xf32>
    %swap3A_227 = arith.constant 0 : index
    %swap3A_228 = arith.constant 0 : index
    %swap3A_229 = vector.load %arg6[%swap3A_227, %swap3A_228] : memref<1024x1024xf32, #tpu.memory_space<vmem>>, vector<1024x1024xf32>
    tpu.vector_store %arg6[%swap3A_227, %swap3A_228], %div3A {strides = array<i32>} : memref<1024x1024xf32, #tpu.memory_space<vmem>>, vector<1024x1024xf32>,
    %get3A_230 = arith.constant 0 : index
    %get3A_231 = arith.constant 0 : index
    %get3A_232 = arith.constant 0 : index
    %get3A_233 = vector.load %arg3[%get3A_230, %get3A_231, %get3A_232] : memref<1x1x1024xf32, #tpu.memory_space<vmem>>, vector<1x1x1024xf32>
    %get3A_234 = vector.shape_cast %get3A_233 : vector<1x1x1024xf32> to vector<1x1024xf32>
    %iota3A = tpu.iota {dimensions = array<i32: 1>} : vector<1x1024xi32>
    %broadcast_in_dim3A = arith.constant 1.000000e+00 : f32
    %broadcast_in_dim3A_235 = vector.broadcast %broadcast_in_dim3A : f32 to vector<1x1024xf32>
    %broadcast_in_dim3A_236 = arith.constant 0.000000e+00 : f32
    %broadcast_in_dim3A_237 = vector.broadcast %broadcast_in_dim3A_236 : f32 to vector<1x1024xf32>
    %scan3A = arith.constant 0 : i32
    %scan3A_238 = arith.constant 100 : i32
    %scan3A_239 = arith.addi %scan3A, %scan3A_238 : i32
    %scan3A_240 = arith.constant 1 : i32
    %scan3A_241:2 = scf.for %scan3A_248 = %scan3A to %scan3A_239 step %scan3A_240 iter_args(%scan3A_249 = %broadcast_in_dim3A_235, %scan3A_250 = %broadcast_in_dim3A_237) -> (vector<1x1024xf32>, vector<1x1024xf32>)  : i32 {
      %gt3A = arith.constant 5.000000e-01 : f32
      %gt3A_251 = vector.broadcast %gt3A : f32 to vector<1x1024xf32>
      %gt3A_252 = arith.cmpf ogt, %scan3A_249, %gt3A_251 : vector<1x1024xf32>
      %jit3A_253 = arith.constant -1.000000e+00 : f32
      %broadcast_in_dim3A_254 = vector.broadcast %jit3A_253 : f32 to vector<1x1024xf32>
      %select_n3A = arith.select %gt3A_252, %get3A_234, %broadcast_in_dim3A_254 : vector<1x1024xi1>, vector<1x1024xf32>
      %reduce_max3A = vector.shape_cast %select_n3A : vector<1x1024xf32> to vector<1x1x1024xf32>
      %reduce_max3A_255 = arith.constant dense<0xFF800000> : vector<1xf32>
      %reduce_max3A_256 = vector.multi_reduction <maximumf>, %reduce_max3A, %reduce_max3A_255 [1, 2] : vector<1x1x1024xf32> to vector<1xf32>
      %reduce_max3A_257 = vector.shape_cast %reduce_max3A_256 : vector<1xf32> to vector<1x1x1xf32>
      %reduce_max3A_258 = vector.extract %reduce_max3A_257[0, 0, 0] : f32 from vector<1x1x1xf32>
      %eq3A = vector.broadcast %reduce_max3A_258 : f32 to vector<1x1024xf32>
      %eq3A_259 = arith.cmpf oeq, %select_n3A, %eq3A : vector<1x1024xf32>
      %jit3A_260 = arith.constant 1024 : i32
      %broadcast_in_dim3A_261 = vector.broadcast %jit3A_260 : i32 to vector<1x1024xi32>
      %select_n3A_262 = arith.select %eq3A_259, %iota3A, %broadcast_in_dim3A_261 : vector<1x1024xi1>, vector<1x1024xi32>
      %reduce_min3A = vector.shape_cast %select_n3A_262 : vector<1x1024xi32> to vector<1x1x1024xi32>
      %reduce_min3A_263 = arith.constant dense<2147483647> : vector<1xi32>
      %reduce_min3A_264 = vector.multi_reduction <minsi>, %reduce_min3A, %reduce_min3A_263 [1, 2] : vector<1x1x1024xi32> to vector<1xi32>
      %reduce_min3A_265 = vector.shape_cast %reduce_min3A_264 : vector<1xi32> to vector<1x1x1xi32>
      %reduce_min3A_266 = vector.extract %reduce_min3A_265[0, 0, 0] : i32 from vector<1x1x1xi32>
      %gt3A_267 = arith.constant -5.000000e-01 : f32
      %gt3A_268 = arith.cmpf ogt, %reduce_max3A_258, %gt3A_267 : f32
      %get3A_269 = arith.index_cast %reduce_min3A_266 : i32 to index
      %get3A_270 = arith.constant 0 : index
      %get3A_271 = vector.load %arg6[%get3A_269, %get3A_270] : memref<1024x1024xf32, #tpu.memory_space<vmem>>, vector<1x1024xf32>
      %eq3A_272 = vector.broadcast %reduce_min3A_266 : i32 to vector<1x1024xi32>
      %eq3A_273 = arith.cmpi eq, %iota3A, %eq3A_272 : vector<1x1024xi32>
      %and3A = vector.broadcast %gt3A_268 : i1 to vector<1x1024xi1>
      %and3A_274 = arith.andi %eq3A_273, %and3A : vector<1x1024xi1>
      %convert_element_type3A = arith.extui %and3A_274 : vector<1x1024xi1> to vector<1x1024xi32>
      %convert_element_type3A_275 = arith.sitofp %convert_element_type3A : vector<1x1024xi32> to vector<1x1024xf32>
      %add3A_276 = arith.addf %scan3A_250, %convert_element_type3A_275 : vector<1x1024xf32>
      %le3A = arith.constant 0.699999988 : f32
      %le3A_277 = vector.broadcast %le3A : f32 to vector<1x1024xf32>
      %le3A_278 = arith.cmpf ole, %get3A_271, %le3A_277 : vector<1x1024xf32>
      %convert_element_type3A_279 = arith.extui %le3A_278 : vector<1x1024xi1> to vector<1x1024xi32>
      %convert_element_type3A_280 = arith.sitofp %convert_element_type3A_279 : vector<1x1024xi32> to vector<1x1024xf32>
      %mul3A_281 = arith.mulf %scan3A_249, %convert_element_type3A_280 : vector<1x1024xf32>
      %select_n3A_282 = arith.select %gt3A_268, %mul3A_281, %scan3A_249 : vector<1x1024xf32>
      scf.yield %select_n3A_282, %add3A_276 : vector<1x1024xf32>, vector<1x1024xf32>
    }
    %swap3A_242 = arith.constant 0 : index
    %swap3A_243 = arith.constant 0 : index
    %swap3A_244 = arith.constant 0 : index
    %swap3A_245 = vector.load %arg5[%swap3A_242, %swap3A_243, %swap3A_244] : memref<1x1x1024xf32, #tpu.memory_space<vmem>>, vector<1x1x1024xf32>
    %swap3A_246 = vector.shape_cast %swap3A_245 : vector<1x1x1024xf32> to vector<1x1024xf32>
    %swap3A_247 = vector.shape_cast %scan3A_241#1 : vector<1x1024xf32> to vector<1x1x1024xf32>
    tpu.vector_store %arg5[%swap3A_242, %swap3A_243, %swap3A_244], %swap3A_247 {strides = array<i32>} : memref<1x1x1024xf32, #tpu.memory_space<vmem>>, vector<1x1x1024xf32>,
    return
  }
  func.func @transform_0(%arg0: i32) -> (i32, i32, i32) {
    %c0_i32 = arith.constant 0 : i32
    %c0_i32_0 = arith.constant 0 : i32
    %c0_i32_1 = arith.constant 0 : i32
    return %arg0, %c0_i32, %c0_i32_0 : i32, i32, i32
  }
  func.func @transform_1(%arg0: i32) -> (i32, i32, i32) {
    %c0_i32 = arith.constant 0 : i32
    %c0_i32_0 = arith.constant 0 : i32
    %c0_i32_1 = arith.constant 0 : i32
    return %arg0, %c0_i32, %c0_i32_0 : i32, i32, i32
  }
  func.func @transform_2(%arg0: i32) -> (i32, i32, i32) {
    %c0_i32 = arith.constant 0 : i32
    %c0_i32_0 = arith.constant 0 : i32
    %c0_i32_1 = arith.constant 0 : i32
    return %arg0, %c0_i32, %c0_i32_0 : i32, i32, i32
  }
  func.func @transform_3(%arg0: i32) -> (i32, i32, i32) {
    %c0_i32 = arith.constant 0 : i32
    %c0_i32_0 = arith.constant 0 : i32
    %c0_i32_1 = arith.constant 0 : i32
    return %arg0, %c0_i32, %c0_i32_0 : i32, i32, i32
  }
  func.func @transform_4(%arg0: i32) -> (i32, i32, i32) {
    %c0_i32 = arith.constant 0 : i32
    %c0_i32_0 = arith.constant 0 : i32
    %c0_i32_1 = arith.constant 0 : i32
    return %arg0, %c0_i32, %c0_i32_0 : i32, i32, i32
  }
}

</mosaic_0001>

<sc_bundles>
// kernel: gather_offload_async_start.1
scs
__scs_entry_jumppad:
0x0: {  	(pc) =	sbr.rel $0x88, $3  }
0x1: {  	(tag) =	ssettag $0x0;
	lr =	simm.s32 $0x1  }
0x2: {  	[smem:$0x3F9A] =	sst lr;
	_ =	strace $0xD0000000  }
0x3: {  	_ = 	snop  }
0x4: {  	_ = 	snop  }
0x5: {  	_ = 	snop  }
0x6: {  	_ = 	snop  }
0x7: {  	_ = 	snop  }
__scs_overlays_trampoline_lowered:
0x8: {  	[smem:$0x3FA9] =	sst s0  }
0x9: {  	[smem:$0x3FAA] =	sst s1  }
0xa: {  	[smem:$0x3FAB] =	sst s2  }
0xb: {  	[smem:$0x3FAC] =	sst s3  }
0xc: {  	[smem:$0x3FAD] =	sst s4  }
0xd: {  	[smem:$0x3FAE] =	sst s5  }
0xe: {  	[smem:$0x3FAF] =	sst s6  }
0xf: {  	[smem:$0x3FB0] =	sst s7  }
0x10: {  	[smem:$0x3FB1] =	sst s8  }
0x11: {  	[smem:$0x3FB2] =	sst s9;
	s0 =	simm.s32 @!p0 $0x0  }
0x12: {  	s1 =	sld [smem:$0x3F98];
	s0 =	simm.s32 @p0 $0x1  }
0x13: {  	[smem:$0x3FB3] =	sst s0;
	s0 =	simm.s32 @!p1 $0x0  }
0x14: {  	s2 =	sld [smem:$0x3F97];
	s0 =	simm.s32 @p1 $0x1  }
0x15: {  	[smem:$0x3FB4] =	sst s0;
	s0 =	simm.s32 @!p2 $0x0  }
0x16: {  	s3 =	sld [smem:$0x3FDB];
	s0 =	simm.s32 @p2 $0x1  }
0x17: {  	s4 =	simm.s32 $0x1BF5;
	[smem:$0x3FB6] =	sst s0  }
0x18: {  	s0 =	sld [smem:$0x3F99];
	_ =	swait.ge [sflag:s4], $0x0  }
0x19: {  	s7 =	sld [smem:$0x3F9A]  }
0x1a: {  	s8 =	sadd.s32 $0xFFFFE003, lr  }
0x1b: {  	s9 =	sadd.s32 $0xFFFFFEF7, lr;
	s5 =	simm.s32 $0xFFFFFFFF;
	p2 =	slt.u32 s8, $0xFFFFF086  }
0x1c: {  	p1 =	slt.u32 s9, $0xF7A;
	s5 =	simm.s32 @!p2 $0x0  }
0x1d: {  	s5 =	simm.s32 @p1 $0x1;
	p0 =	seq.s32 s7, s2  }
0x1e: {  	s7 =	smul.u32 @!p0 $0xF7A, s2;
	p2 =	seq.s32 @!p0 s5, $0x0  }
0x1f: {  	s9 =	smul.u32 $0xF7A, s1;
	s8 =	simm.s32 @!p0 $0x1BF5;
	p2 =	por !p2, p0  }
0x20: {  	[sflag:s8] =	ssyncset.s32 @!p0 $0xFFFFF086;
	s6 =	sadd.s32 @!p0 s3, s7;
	s7 =	simm.s32 @!p0 $0x108  }
0x21: {  	s3 =	sadd.s32 s3, s9;
	s6 =	sadd.s32 @!p0 $0x88, s6;
	s7 =	simm.s32 @p2 $0x1082  }
0x22: {  	[simem:s7], [sflag:s8] =	dma.local @!p0 [hbm:s6], $0xF7A  }
0x23: {  	s9 =	sor.u32 $0xD0000000, s2;
	s6 =	simm.s32 $0x108;
	_ =	swait.ge @!p0 [sflag:s8], $0x0  }
0x24: {  	s3 =	sadd.s32 $0x88, s3;
	s6 =	simm.s32 @!p1 $0x1082;
	[sflag:s4] =	ssyncset.s32 $0xFFFFF086  }
0x25: {  	[simem:s6], [sflag:s4] =	dma.local [hbm:s3], $0xF7A  }
0x26: {  	[smem:$0x3F9A] =	sst s1;
	(tag) =	ssettag s2;
	_ =	strace s9  }
0x27: {  	s1 =	sld [smem:$0x3FAA]  }
0x28: {  	s2 =	sld [smem:$0x3FAB]  }
0x29: {  	s4 =	sld [smem:$0x3FAD]  }
0x2a: {  	p0 =	seq.s32 s5, $0x0;
	s5 =	sld [smem:$0x3FAE]  }
0x2b: {  	s6 =	sld [smem:$0x3FAF]  }
0x2c: {  	s7 =	sld [smem:$0x3FB0]  }
0x2d: {  	s3 =	simm.s32 $0x108;
	s8 =	sld [smem:$0x3FB1]  }
0x2e: {  	s3 =	simm.s32 @!p0 $0x1082;
	s9 =	sld [smem:$0x3FB2]  }
0x2f: {  	lr =	sadd.s32 s0, s3;
	s0 =	sld [smem:$0x3FA9]  }
0x30: {  	s3 =	sld [smem:$0x3FAC]  }
0x31: {  	[smem:$0x3FB5] =	sst s10  }
0x32: {  	s10 =	sld [smem:$0x3FB3];
	_ =	sdelay $0x3  }
0x33: {  	p0 =	seq.s32 s10, $0x1;
	s10 =	sld [smem:$0x3FB5];
	_ =	sdelay $0x3  }
0x34: {  	[smem:$0x3FB5] =	sst s10  }
0x35: {  	s10 =	sld [smem:$0x3FB4];
	_ =	sdelay $0x3  }
0x36: {  	p1 =	seq.s32 s10, $0x1;
	s10 =	sld [smem:$0x3FB5];
	_ =	sdelay $0x3  }
0x37: {  	[smem:$0x3FB5] =	sst s10  }
0x38: {  	s10 =	sld [smem:$0x3FB6]  }
0x39: {  	_ = 	snop;
	(pc) =	sbr.ind lr, $3  }
0x3a: {  	_ = 	snop  }
0x3b: {  	_ = 	snop  }
0x3c: {  	p2 =	seq.s32 s10, $0x1;
	s10 =	sld [smem:$0x3FB5]  }
0x3d: {  	_ =	shalt  }
0x3e: {  	_ =	shalt  }
0x3f: {  	_ =	shalt  }
0x40: {  	_ =	shalt  }
0x41: {  	_ =	shalt  }
0x42: {  	_ =	shalt  }
0x43: {  	_ =	shalt  }
0x44: {  	_ =	shalt  }
0x45: {  	_ =	shalt  }
0x46: {  	_ =	shalt  }
0x47: {  	_ =	shalt  }
0x48: {  	_ =	shalt  }
0x49: {  	_ =	shalt  }
0x4a: {  	_ =	shalt  }
0x4b: {  	_ =	shalt  }
0x4c: {  	_ =	shalt  }
0x4d: {  	_ =	shalt  }
0x4e: {  	_ =	shalt  }
0x4f: {  	_ =	shalt  }
0x50: {  	_ =	shalt  }
0x51: {  	_ =	shalt  }
0x52: {  	_ =	shalt  }
0x53: {  	_ =	shalt  }
0x54: {  	_ =	shalt  }
0x55: {  	_ =	shalt  }
0x56: {  	_ =	shalt  }
0x57: {  	_ =	shalt  }
0x58: {  	_ =	shalt  }
0x59: {  	_ =	shalt  }
0x5a: {  	_ =	shalt  }
0x5b: {  	_ =	shalt  }
0x5c: {  	_ =	shalt  }
0x5d: {  	_ =	shalt  }
0x5e: {  	_ =	shalt  }
0x5f: {  	_ =	shalt  }
0x60: {  	_ =	shalt  }
0x61: {  	_ =	shalt  }
0x62: {  	_ =	shalt  }
0x63: {  	_ =	shalt  }
0x64: {  	_ =	shalt  }
0x65: {  	_ =	shalt  }
0x66: {  	_ =	shalt  }
0x67: {  	_ =	shalt  }
0x68: {  	_ =	shalt  }
0x69: {  	_ =	shalt  }
0x6a: {  	_ =	shalt  }
0x6b: {  	_ =	shalt  }
0x6c: {  	_ =	shalt  }
0x6d: {  	_ =	shalt  }
0x6e: {  	_ =	shalt  }
0x6f: {  	_ =	shalt  }
0x70: {  	_ =	shalt  }
0x71: {  	_ =	shalt  }
0x72: {  	_ =	shalt  }
0x73: {  	_ =	shalt  }
0x74: {  	_ =	shalt  }
0x75: {  	_ =	shalt  }
0x76: {  	_ =	shalt  }
0x77: {  	_ =	shalt  }
0x78: {  	_ =	shalt  }
0x79: {  	_ =	shalt  }
0x7a: {  	_ =	shalt  }
0x7b: {  	_ =	shalt  }
0x7c: {  	_ =	shalt  }
0x7d: {  	_ =	shalt  }
0x7e: {  	_ =	shalt  }
0x7f: {  	_ =	shalt  }
0x80: {  	_ =	shalt  }
0x81: {  	_ =	shalt  }
0x82: {  	_ =	shalt  }
0x83: {  	_ =	shalt  }
0x84: {  	_ =	shalt  }
0x85: {  	_ =	shalt  }
0x86: {  	_ =	shalt  }
0x87: {  	_ =	shalt  }
.Lfunc_end0:
.L_simem_size_0:
called_computation.1_lowered:
.L_overlay_start_0:
0x88: {  	s0 =	sld [smem:$0x3FD9]  }
0x89: {  	s1 =	sld [smem:$0x3FFE];
	_ =	sdelay $0x3  }
0x8a: {  	s0 =	sadd.s32 s1, s0  }
0x8b: {  	[smem:$0x3FC1] =	sst s0  }
0x8c: {  	_ = 	snop  }
0x8d: {  	(tm) =	ssettm $0x1  }
0x8e: {  	s15 =	sld [smem:$0x3FFB];
	_ =	sdelay $0x3  }
0x8f: {  	_ =	strace s15  }
0x90: {  	s0 =	sld [smem:$0x3FFC];
	_ =	sdelay $0x3  }
0x91: {  	_ =	strace s0  }
0x92: {  	s0 =	sld [smem:$0x3FFD];
	_ =	sdelay $0x3  }
0x93: {  	_ =	strace s0  }
0x94: {  	_ =	strace $0x8FFFFFFF  }
0x95: {  	s16 =	sld [smem:$0x3FDB];
	_ =	sdelay $0x1  }
0x96: {  	s17 =	simm.s32 $_scs_section_size  }
0x97: {  	s2 =	simm.s32 $_size__tile_overlayer_lowered;
	s3 =	simm.s32 $_tile_overlayer_lowered  }
0x98: {  	s20 =	simm.s32 $0x1BFF;
	s19 =	sshll.u32 s3, $0x1;
	s0 =	sadd.s32 s17, s16  }
0x99: {  	s4 =	simm.s32 $0x0;
	s18 =	sshll.u32 s2, $0x1;
	s2 =	sadd.s32 s19, s0  }
0x9a: {  	[timem:s4], [sflag:s20] =	dma.local [hbm:s2], s18  }
0x9b: {  	_ =	swait.ge [sflag:s20], s18  }
0x9c: {  	s1 =	ssub.s32 $0x0, s18;
	[sflag:s20] =	ssyncset.done $0x0  }
0x9d: {  	[sflag:s20] =	ssyncadd.s32 s1;
	_ =	sdelay $0x1  }
0x9e: {  	s21 =	simm.s32 $0x1B8B  }
0x9f: {  	_ =	swait.ge [sflag:s21], $0x1  }
0xa0: {  	[sflag:s21] =	ssyncset.done $0x0  }
0xa1: {  	s23 =	simm.s32 $0x1B8E;
	s22 =	sld [smem:$0x3FFE];
	[sflag:s21] =	ssyncadd.s32 $0xFFFFFFFF  }
0xa2: {  	s24 =	simm.s32 $execute0_lowered;
	[smem:$0x3FD2] =	sst s23  }
0xa3: {  	s2 =	sshll.u32 s24, $0x1;
	_ =	strace $0x80000049;
	[dreg:$0x1] =	wrdreg $0xFFFFFFFF  }
0xa4: {  	s25 =	simm.s32 $_size_execute0_lowered;
	s0 =	sadd.s32 s0, s2;
	[dreg:$0x0] =	wrdreg $0x0  }
0xa5: {  	s2 =	sshll.u32 s25, $0x1;
	[dreg:$0x2] =	wrdreg s0  }
0xa6: {  	[dreg:$0x3] =	wrdreg s2  }
0xa7: {  	[dreg:$0x4] =	wrdreg $0xC0  }
0xa8: {  	_ =	task [dreg:s4], $0x5FFFF  }
0xa9: {  	[dreg:$0x1] =	wrdreg $0xFFFFFFFF  }
0xaa: {  	[dreg:$0x0] =	wrdreg $0x60  }
0xab: {  	[dreg:$0x2] =	wrdreg s22  }
0xac: {  	[dreg:$0x3] =	wrdreg $0xA  }
0xad: {  	_ =	task.clear_ibuf [dreg:s4], $0x4FFFF;
	_ =	strace $0x90000049  }
0xae: {  	s26 =	simm.s32 $0xA;
	_ =	strace $0x8000004B  }
0xaf: {  	_ =	swait.ge [sflag:s26], $0x1  }
0xb0: {  	[sflag:s26] =	ssyncadd.s32 $0xFFFFFFFF  }
0xb1: {  	_ =	strace $0x9000004B  }
0xb2: {  	_ =	sfence  }
0xb3: {  	s28 =	sld [smem:$0x0];
	_ =	sdelay $0x1  }
0xb4: {  	s29 =	srdreg.scid  }
0xb5: {  	s30 =	sshll.u32 s29, $0xD;
	s31 =	sshrl.u32 s29, $0x2  }
0xb6: {  	s1 =	sand.u32 $0x1, s29;
	s2 =	sand.u32 $0x4000, s30;
	s0 =	sadd.s32 s31, s28  }
0xb7: {  	s1 =	sor.u32 s2, s1;
	s0 =	sshll.u32 s0, $0x11  }
0xb8: {  	s0 =	sor.u32 s0, s1  }
0xb9: {  	s0 =	sadd.s32 $0x8F2B, s0  }
0xba: {  	[sflag:s0] =	ssyncadd.remote.s32 $0x1  }
0xbb: {  	_ =	sfence.sel $0xFFFF  }
0xbc: {  	[dreg:$0x0] =	wrdreg $0xFFFFFFFF;
	(pc) =	sbr.abs _section_cstart, $3  }
0xbd: {  	[dreg:$0x1] =	wrdreg $0xFFFFFFFF  }
0xbe: {  	_ =	task.clear_ibuf [dreg:s4], $0x2FFFF;
	_ =	strace $0x9FFFFFFF  }
0xbf: {  	(tm) =	ssettm $0x7FFFFFFF  }
tec
execute0_lowered:
.L_overlay_start_1:
0x0: {  	(tag) =	ssettag $0x1  }
0x1: {  	s0 =	stileid.u32  }
0x2: {  	s1 =	smin.u32 s0, $0x9  }
0x3: {  	s1 =	sadd.s32 s0, s1  }
0x4: {  	p0 =	slt.u32 s0, $0x9;
	s2 =	smul.u32 $0x50, s1;
	s1 =	simm.s32 $0xA0  }
0x5: {  	s1 =	simm.s32 @!p0 $0x50  }
0x6: {  	s1 =	sadd.s32 s1, s2  }
0x7: {  	s3 =	smin.u32 s1, $0x7D0  }
0x8: {  	s7 =	ssub.s32 s3, s2  }
0x9: {  	p0 =	sgt.s32 s7, $0x0  }
0xa: {  	s7 =	simm.s32 @!p0 $0x0  }
0xb: {  	s31 =	smul.u32 $0xCCCD, s7  }
0xc: {  	s9 =	rddreg [dreg:$0x0];
	s6 =	simm.s32 $0x1;
	s11 =	simm.s32 $0x3  }
0xd: {  	s13 =	simm.s32 $0x0;
	s12 =	simm.s32 $0x0;
	s8 =	sshrl.u32 s31, $0x16  }
0xe: {  	s4 =	sadd.s32 $0x23200, s9;
	s5 =	sadd.s32 $0x23000, s9;
	s10 =	smul.u32 $0x50, s8  }
.Ltmp0:
0xf: {  	s9 =	sadd.s32 $0x59200, s9;
	s1 =	rddreg [dreg:$0x1];
	(pc) =	sbr.rel .LBB2_1-.Ltmp0, $4  }
0x10: {  	_ =	strace $0x8000004A;
	p0 =	sne.s32 s7, s10;
	s10 =	simm.s32 $0x1  }
0x11: {  	[sflag:s6] =	ssyncpa.u1 $0x0;
	s7 =	simm.s32 $0x2;
	s10 =	simm.s32 @!p0 $0x0  }
0x12: {  	[sflag:s7] =	ssyncpa.u1 $0x0;
	p0 =	por $0x0, $0x0;
	s8 =	sadd.s32 s8, s10  }
0x13: {  	v0 =	vimm.s32 $0x0;
	vm0 =	vmmov $0xff;
	vm1 =	vcmask $0x3F20;
	[sflag:s11] =	ssyncpa.u1 $0x0;
	s11 =	smov.u32 s2;
	s10 =	sadd.s32 $0x1, s8  }
.LBB2_6:
0x14: {  	[hbm:s17] =	stream.linear.scatter [tilespmem:s14], [sflag:$0x3], $0x400, $0x38;
	[tilespmem:$0x50A0] =	vst v63  }
.LBB2_7:
0x15: {  	s13 =	sadd.s32 $0x50, s11  }
0x16: {  	s15 =	smov.u32 s2;
	p2 =	slt.s32 s13, s3  }
0x17: {  	s15 =	smov.u32 @p2 s13;
	p2 =	sne.s32 s12, s10  }
.Ltmp1:
0x18: {  	p1 =	slt.u32 s12, $0x2;
	(pc) =	sbr.rel @!p2 .LBB2_8-.Ltmp1, $4  }
0x19: {  	s14 =	simm.s32 @!p1 $0x3  }
0x1a: {  	s16 =	sadd.s32 $0x1, s12;
	_ =	swait.ge @!p1 [sflag:s14], $0x2800  }
0x1b: {  	p0 =	por !p0, !p0;
	s13 =	smov.u32 s11;
	[sflag:s14] =	ssyncset.done @!p1 $0x0  }
0x1c: {  	s12 =	smov.u32 s16;
	s11 =	smov.u32 s15;
	[sflag:s14] =	ssyncadd.s32 @!p1 $0xFFFFD800  }
.LBB2_1:
0x1d: {  	p1 =	sge.u32 s12, s8  }
0x1e: {  	s14 =	sxor.u32 @!p1 $0xFFFFFFFF, s12  }
0x1f: {  	s14 =	sand.u32 @!p1 $0x1, s14  }
0x20: {  	s14 =	smul.u32 @!p1 $0x140, s14  }
0x21: {  	s31 =	sadd.s32 $0xFFFFFFFF, s12;
	s15 =	sshrl.u32 @!p1 s11, $0x3  }
0x22: {  	s16 =	sand.u32 @!p1 $0x7, s11;
	s15 =	sadd.s32 @!p1 s5, s15;
	s14 =	sshrl.u32 @!p1 s14, $0x2  }
0x23: {  	[tilespmem:s14], [sflag:$0x2] =	stream.linear.gather @!p1 [hbm4b:s15+s16], $0x50, $0x38;
	[tilespmem:$0x50A0] =	vst v63  }
0x24: {  	p1 =	sge.u32 s31, s8  }
.Ltmp2:
0x25: {  	_ = 	snop;
	(pc) =	sbr.rel @p1 .LBB2_7-.Ltmp2, $1  }
0x26: {  	_ =	sdelay $0x3  }
0x27: {  	s14 =	simm.s32 $0x1  }
0x28: {  	s14 =	simm.s32 @!p0 $0x0  }
0x29: {  	s15 =	smul.u32 $0x140, s14  }
0x2a: {  	_ =	swait.ge [sflag:s7], $0x50  }
0x2b: {  	[sflag:s7] =	ssyncset.done $0x0;
	s16 =	sshrl.u32 s15, $0x2  }
0x2c: {  	[sflag:s7] =	ssyncadd.s32 $0xFFFFFFB0;
	s15 =	sadd.s32 $0x0, s16  }
0x2d: {  	v1 =	vld.msk [tilespmem:s15+$0x0 ss:$0x1], $0xffff;
	_ =	sdelay $0x4  }
0x2e: {  	v2 =	vand.u32 $0x1, v1;
	v3 =	vshll.u32 v1, $0x6  }
0x2f: {  	vm2 =	veq.s32 v1, $0x80000000;
	vm3 =	veq.s32 v2, $0x1;
	v1 =	vand.u32 $0xFFF80, v3  }
0x30: {  	v2 =	vsel vm3, $0xD8000, v0;
	v1 =	vsel vm2, $0xFFFFFF80, v1  }
0x31: {  	v2 =	vsel vm2, $0xFFF28000, v2;
	v3 =	vand.u32 $0xFFFFFC00, v1  }
0x32: {  	v1 =	vand.u32 $0x380, v1;
	v2 =	vadd.s32 v2, v3  }
0x33: {  	v1 =	vor.u32 v1, v2  }
0x34: {  	v1 =	vshrl.u32 v1, $0x3  }
0x35: {  	s14 =	smul.u32 $0xA000, s14;
	_ =	sdelay $0x1  }
0x36: {  	s14 =	sshrl.u32 s14, $0x2  }
0x37: {  	s14 =	sor.u32 $0xA0, s14  }
0x38: {  	[tilespmem:s14], [sflag:$0x1] =	stream.indirect_vreg.gather [hbm:s4], $0x80, v1, vm0, $0x38;
	[tilespmem:$0x50A0] =	vst v63  }
0x39: {  	s17 =	sadd.s32 $0x10, s16;
	s15 =	sadd.s32 $0x400, s14  }
0x3a: {  	[tilespmem:s15], [sflag:$0x1] =	stream.indirect_vreg.gather [hbm:s4], $0x80, v1, vm1, $0x38;
	[tilespmem:$0x50A0] =	vst v63  }
0x3b: {  	s18 =	simm.s32 $0x80;
	v1 =	vld.msk [tilespmem:s17+$0x0 ss:$0x1], $0xffff;
	s17 =	smov.u32 s14  }
.LBB2_3:
0x3c: {  	p1 =	sne.s32 s18, $0x100;
	_ =	sdelay $0x4  }
0x3d: {  	v2 =	vand.u32 $0x1, v1;
	v3 =	vshll.u32 v1, $0x6  }
0x3e: {  	vm2 =	veq.s32 v1, $0x80000000;
	vm3 =	veq.s32 v2, $0x1;
	v1 =	vand.u32 $0xFFF80, v3  }
0x3f: {  	v2 =	vsel vm3, $0xD8000, v0;
	v1 =	vsel vm2, $0xFFFFFF80, v1  }
0x40: {  	v2 =	vsel vm2, $0xFFF28000, v2;
	v3 =	vand.u32 $0xFFFFFC00, v1  }
0x41: {  	v1 =	vand.u32 $0x380, v1;
	v2 =	vadd.s32 v2, v3  }
0x42: {  	v1 =	vor.u32 v1, v2  }
0x43: {  	v1 =	vshrl.u32 v1, $0x3;
	_ =	sdelay $0x3  }
.Ltmp3:
0x44: {  	s19 =	sshra.s32 s18, $0x2;
	s17 =	sadd.s32 $0x800, s17;
	(pc) =	sbr.rel @p1 .LBB2_3-.Ltmp3, $4  }
0x45: {  	[tilespmem:s17], [sflag:$0x1] =	stream.indirect_vreg.gather [hbm:s4], $0x80, v1, vm0, $0x38;
	[tilespmem:$0x50A0] =	vst v63  }
0x46: {  	s19 =	sadd.s32 s19, s16;
	s20 =	sadd.s32 $0x400, s17  }
0x47: {  	[tilespmem:s20], [sflag:$0x1] =	stream.indirect_vreg.gather [hbm:s4], $0x80, v1, vm1, $0x38;
	[tilespmem:$0x50A0] =	vst v63  }
0x48: {  	s18 =	sadd.s32 $0x40, s18;
	v1 =	vld.msk [tilespmem:s19+$0x0 ss:$0x1], $0xffff  }
0x49: {  	_ =	sdelay $0x3  }
0x4a: {  	v2 =	vand.u32 $0x1, v1;
	v3 =	vshll.u32 v1, $0x6  }
0x4b: {  	vm2 =	veq.s32 v1, $0x80000000;
	vm3 =	veq.s32 v2, $0x1;
	v1 =	vand.u32 $0xFFF80, v3  }
0x4c: {  	v2 =	vsel vm3, $0xD8000, v0;
	v1 =	vsel vm2, $0xFFFFFF80, v1  }
0x4d: {  	v2 =	vsel vm2, $0xFFF28000, v2;
	v3 =	vand.u32 $0xFFFFFC00, v1  }
0x4e: {  	v1 =	vand.u32 $0x380, v1;
	v2 =	vadd.s32 v2, v3  }
0x4f: {  	v1 =	vor.u32 v1, v2  }
0x50: {  	v1 =	vshrl.u32 v1, $0x3;
	_ =	sdelay $0x3  }
0x51: {  	s16 =	sadd.s32 $0x800, s17  }
0x52: {  	[tilespmem:s16], [sflag:$0x1] =	stream.indirect_vreg.gather [hbm:s4], $0x80, v1, vm0, $0x38;
	[tilespmem:$0x50A0] =	vst v63  }
0x53: {  	s16 =	sadd.s32 $0x400, s16  }
0x54: {  	[tilespmem:s16], [sflag:$0x1] =	stream.indirect_vreg.gather [hbm:s4], $0x80, v1, vm1, $0x38;
	[tilespmem:$0x50A0] =	vst v63  }
0x55: {  	s13 =	sshll.u32 s13, $0x4;
	_ =	swait.ge [sflag:s6], $0x2800  }
0x56: {  	s13 =	sadd.s32 s13, s9;
	[sflag:s6] =	ssyncset.done $0x0  }
0x57: {  	s17 =	sadd.s32 $0x0, s13;
	s16 =	simm.s32 $0x80;
	[sflag:s6] =	ssyncadd.s32 $0xFFFFD800  }
.LBB2_5:
0x58: {  	[hbm:s17] =	stream.linear.scatter [tilespmem:s14], [sflag:$0x3], $0x400, $0x38;
	[tilespmem:$0x50A0] =	vst v63  }
0x59: {  	s17 =	smov.u32 s16;
	s14 =	smov.u32 s15;
	p1 =	sne.s32 s16, $0x480  }
.Ltmp4:
0x5a: {  	s16 =	sadd.s32 $0x80, s16;
	(pc) =	sbr.rel @p1 .LBB2_5-.Ltmp4, $2  }
0x5b: {  	_ =	sdelay $0x2  }
0x5c: {  	s15 =	sadd.s32 $0x400, s15;
	s17 =	sadd.s32 s17, s13  }
.Ltmp5:
0x5d: {  	_ = 	snop;
	(pc) =	sbr.rel .LBB2_6-.Ltmp5, $1  }
0x5e: {  	_ =	sdelay $0x3  }
.LBB2_8:
0x5f: {  	_ =	sfence.sel $0x180000  }
0x60: {  	s2 =	simm.s32 $0x2;
	[bflag:$0x0] =	sbarrier.arrive $0xFFFF  }
0x61: {  	s30 =	simm.s32 $0x3;
	[sflag:s2] =	ssyncpa.u1 $0x1  }
0x62: {  	s31 =	simm.s32 $0x1;
	[sflag:s30] =	ssyncpa.u1 $0x1  }
0x63: {  	[sflag:s31] =	ssyncpa.u1 $0x1  }
0x64: {  	p0 =	sne.s32 s0, $0x0;
	_ =	strace $0x9000004A  }
0x65: {  	s0 =	sadd.s32 @!p0 $0x100000, s1;
	[bflag:$0x2] =	sbarrier.arrive $0xFFFF  }
0x66: {  	[sflag:s0] =	ssyncadd.tile.s32 @!p0 $0x1;
	_ =	shalt  }
.Lfunc_end2:
_tile_overlayer_lowered:
.L_overlay_start_2:
0x67: {  	(tag) =	ssettag $0x2  }
0x68: {  	s0 =	rddreg [dreg:$0x0];
	s2 =	stileid.u32  }
0x69: {  	s1 =	rddreg [dreg:$0x1];
	p0 =	sne.s32 s2, $0x0  }
0x6a: {  	s3 =	rddreg [dreg:$0x2];
	[bflag:$0x3] =	sbarrier.arrive $0xFFFF;
	s2 =	simm.s32 @!p0 $0x1C01  }
0x6b: {  	[timem:s3], [sflag:s2] =	dma.local @!p0 [hbm:s0], s1  }
0x6c: {  	s0 =	simm.s32 @!p0 $0x1  }
0x6d: {  	_ =	swait.ge @!p0 [sflag:s0], s1  }
0x6e: {  	s1 =	ssub.s32 @!p0 $0x0, s1;
	[sflag:s0] =	ssyncset.done @!p0 $0x0  }
0x6f: {  	[sflag:s0] =	ssyncadd.s32 @!p0 s1  }
0x70: {  	[bflag:$0x3] =	sbarrier.arrive $0xFFFF  }
0x71: {  	_ =	shalt  }

// kernel: gather_offload_async_start
scs
__scs_entry_jumppad:
0x0: {  	(pc) =	sbr.rel $0x88, $3  }
0x1: {  	(tag) =	ssettag $0x0;
	lr =	simm.s32 $0x1  }
0x2: {  	[smem:$0x3F9A] =	sst lr;
	_ =	strace $0xD0000000  }
0x3: {  	_ = 	snop  }
0x4: {  	_ = 	snop  }
0x5: {  	_ = 	snop  }
0x6: {  	_ = 	snop  }
0x7: {  	_ = 	snop  }
__scs_overlays_trampoline_lowered:
0x8: {  	[smem:$0x3FA9] =	sst s0  }
0x9: {  	[smem:$0x3FAA] =	sst s1  }
0xa: {  	[smem:$0x3FAB] =	sst s2  }
0xb: {  	[smem:$0x3FAC] =	sst s3  }
0xc: {  	[smem:$0x3FAD] =	sst s4  }
0xd: {  	[smem:$0x3FAE] =	sst s5  }
0xe: {  	[smem:$0x3FAF] =	sst s6  }
0xf: {  	[smem:$0x3FB0] =	sst s7  }
0x10: {  	[smem:$0x3FB1] =	sst s8  }
0x11: {  	[smem:$0x3FB2] =	sst s9;
	s0 =	simm.s32 @!p0 $0x0  }
0x12: {  	s1 =	sld [smem:$0x3F98];
	s0 =	simm.s32 @p0 $0x1  }
0x13: {  	[smem:$0x3FB3] =	sst s0;
	s0 =	simm.s32 @!p1 $0x0  }
0x14: {  	s2 =	sld [smem:$0x3F97];
	s0 =	simm.s32 @p1 $0x1  }
0x15: {  	[smem:$0x3FB4] =	sst s0;
	s0 =	simm.s32 @!p2 $0x0  }
0x16: {  	s3 =	sld [smem:$0x3FDB];
	s0 =	simm.s32 @p2 $0x1  }
0x17: {  	s4 =	simm.s32 $0x1BF5;
	[smem:$0x3FB6] =	sst s0  }
0x18: {  	s0 =	sld [smem:$0x3F99];
	_ =	swait.ge [sflag:s4], $0x0  }
0x19: {  	s7 =	sld [smem:$0x3F9A]  }
0x1a: {  	s8 =	sadd.s32 $0xFFFFE003, lr  }
0x1b: {  	s9 =	sadd.s32 $0xFFFFFEF7, lr;
	s5 =	simm.s32 $0xFFFFFFFF;
	p2 =	slt.u32 s8, $0xFFFFF086  }
0x1c: {  	p1 =	slt.u32 s9, $0xF7A;
	s5 =	simm.s32 @!p2 $0x0  }
0x1d: {  	s5 =	simm.s32 @p1 $0x1;
	p0 =	seq.s32 s7, s2  }
0x1e: {  	s7 =	smul.u32 @!p0 $0xF7A, s2;
	p2 =	seq.s32 @!p0 s5, $0x0  }
0x1f: {  	s9 =	smul.u32 $0xF7A, s1;
	s8 =	simm.s32 @!p0 $0x1BF5;
	p2 =	por !p2, p0  }
0x20: {  	[sflag:s8] =	ssyncset.s32 @!p0 $0xFFFFF086;
	s6 =	sadd.s32 @!p0 s3, s7;
	s7 =	simm.s32 @!p0 $0x108  }
0x21: {  	s3 =	sadd.s32 s3, s9;
	s6 =	sadd.s32 @!p0 $0x88, s6;
	s7 =	simm.s32 @p2 $0x1082  }
0x22: {  	[simem:s7], [sflag:s8] =	dma.local @!p0 [hbm:s6], $0xF7A  }
0x23: {  	s9 =	sor.u32 $0xD0000000, s2;
	s6 =	simm.s32 $0x108;
	_ =	swait.ge @!p0 [sflag:s8], $0x0  }
0x24: {  	s3 =	sadd.s32 $0x88, s3;
	s6 =	simm.s32 @!p1 $0x1082;
	[sflag:s4] =	ssyncset.s32 $0xFFFFF086  }
0x25: {  	[simem:s6], [sflag:s4] =	dma.local [hbm:s3], $0xF7A  }
0x26: {  	[smem:$0x3F9A] =	sst s1;
	(tag) =	ssettag s2;
	_ =	strace s9  }
0x27: {  	s1 =	sld [smem:$0x3FAA]  }
0x28: {  	s2 =	sld [smem:$0x3FAB]  }
0x29: {  	s4 =	sld [smem:$0x3FAD]  }
0x2a: {  	p0 =	seq.s32 s5, $0x0;
	s5 =	sld [smem:$0x3FAE]  }
0x2b: {  	s6 =	sld [smem:$0x3FAF]  }
0x2c: {  	s7 =	sld [smem:$0x3FB0]  }
0x2d: {  	s3 =	simm.s32 $0x108;
	s8 =	sld [smem:$0x3FB1]  }
0x2e: {  	s3 =	simm.s32 @!p0 $0x1082;
	s9 =	sld [smem:$0x3FB2]  }
0x2f: {  	lr =	sadd.s32 s0, s3;
	s0 =	sld [smem:$0x3FA9]  }
0x30: {  	s3 =	sld [smem:$0x3FAC]  }
0x31: {  	[smem:$0x3FB5] =	sst s10  }
0x32: {  	s10 =	sld [smem:$0x3FB3];
	_ =	sdelay $0x3  }
0x33: {  	p0 =	seq.s32 s10, $0x1;
	s10 =	sld [smem:$0x3FB5];
	_ =	sdelay $0x3  }
0x34: {  	[smem:$0x3FB5] =	sst s10  }
0x35: {  	s10 =	sld [smem:$0x3FB4];
	_ =	sdelay $0x3  }
0x36: {  	p1 =	seq.s32 s10, $0x1;
	s10 =	sld [smem:$0x3FB5];
	_ =	sdelay $0x3  }
0x37: {  	[smem:$0x3FB5] =	sst s10  }
0x38: {  	s10 =	sld [smem:$0x3FB6]  }
0x39: {  	_ = 	snop;
	(pc) =	sbr.ind lr, $3  }
0x3a: {  	_ = 	snop  }
0x3b: {  	_ = 	snop  }
0x3c: {  	p2 =	seq.s32 s10, $0x1;
	s10 =	sld [smem:$0x3FB5]  }
0x3d: {  	_ =	shalt  }
0x3e: {  	_ =	shalt  }
0x3f: {  	_ =	shalt  }
0x40: {  	_ =	shalt  }
0x41: {  	_ =	shalt  }
0x42: {  	_ =	shalt  }
0x43: {  	_ =	shalt  }
0x44: {  	_ =	shalt  }
0x45: {  	_ =	shalt  }
0x46: {  	_ =	shalt  }
0x47: {  	_ =	shalt  }
0x48: {  	_ =	shalt  }
0x49: {  	_ =	shalt  }
0x4a: {  	_ =	shalt  }
0x4b: {  	_ =	shalt  }
0x4c: {  	_ =	shalt  }
0x4d: {  	_ =	shalt  }
0x4e: {  	_ =	shalt  }
0x4f: {  	_ =	shalt  }
0x50: {  	_ =	shalt  }
0x51: {  	_ =	shalt  }
0x52: {  	_ =	shalt  }
0x53: {  	_ =	shalt  }
0x54: {  	_ =	shalt  }
0x55: {  	_ =	shalt  }
0x56: {  	_ =	shalt  }
0x57: {  	_ =	shalt  }
0x58: {  	_ =	shalt  }
0x59: {  	_ =	shalt  }
0x5a: {  	_ =	shalt  }
0x5b: {  	_ =	shalt  }
0x5c: {  	_ =	shalt  }
0x5d: {  	_ =	shalt  }
0x5e: {  	_ =	shalt  }
0x5f: {  	_ =	shalt  }
0x60: {  	_ =	shalt  }
0x61: {  	_ =	shalt  }
0x62: {  	_ =	shalt  }
0x63: {  	_ =	shalt  }
0x64: {  	_ =	shalt  }
0x65: {  	_ =	shalt  }
0x66: {  	_ =	shalt  }
0x67: {  	_ =	shalt  }
0x68: {  	_ =	shalt  }
0x69: {  	_ =	shalt  }
0x6a: {  	_ =	shalt  }
0x6b: {  	_ =	shalt  }
0x6c: {  	_ =	shalt  }
0x6d: {  	_ =	shalt  }
0x6e: {  	_ =	shalt  }
0x6f: {  	_ =	shalt  }
0x70: {  	_ =	shalt  }
0x71: {  	_ =	shalt  }
0x72: {  	_ =	shalt  }
0x73: {  	_ =	shalt  }
0x74: {  	_ =	shalt  }
0x75: {  	_ =	shalt  }
0x76: {  	_ =	shalt  }
0x77: {  	_ =	shalt  }
0x78: {  	_ =	shalt  }
0x79: {  	_ =	shalt  }
0x7a: {  	_ =	shalt  }
0x7b: {  	_ =	shalt  }
0x7c: {  	_ =	shalt  }
0x7d: {  	_ =	shalt  }
0x7e: {  	_ =	shalt  }
0x7f: {  	_ =	shalt  }
0x80: {  	_ =	shalt  }
0x81: {  	_ =	shalt  }
0x82: {  	_ =	shalt  }
0x83: {  	_ =	shalt  }
0x84: {  	_ =	shalt  }
0x85: {  	_ =	shalt  }
0x86: {  	_ =	shalt  }
0x87: {  	_ =	shalt  }
.Lfunc_end0:
.L_simem_size_0:
called_computation_lowered:
.L_overlay_start_0:
0x88: {  	s0 =	sld [smem:$0x3FD9]  }
0x89: {  	s1 =	sld [smem:$0x3FFE];
	_ =	sdelay $0x3  }
0x8a: {  	s0 =	sadd.s32 s1, s0  }
0x8b: {  	[smem:$0x3FC1] =	sst s0  }
0x8c: {  	_ = 	snop  }
0x8d: {  	(tm) =	ssettm $0x1  }
0x8e: {  	s15 =	sld [smem:$0x3FFB];
	_ =	sdelay $0x3  }
0x8f: {  	_ =	strace s15  }
0x90: {  	s0 =	sld [smem:$0x3FFC];
	_ =	sdelay $0x3  }
0x91: {  	_ =	strace s0  }
0x92: {  	s0 =	sld [smem:$0x3FFD];
	_ =	sdelay $0x3  }
0x93: {  	_ =	strace s0  }
0x94: {  	_ =	strace $0x8FFFFFFF  }
0x95: {  	s16 =	sld [smem:$0x3FDB];
	_ =	sdelay $0x1  }
0x96: {  	s17 =	simm.s32 $_scs_section_size  }
0x97: {  	s2 =	simm.s32 $_size__tile_overlayer_lowered;
	s3 =	simm.s32 $_tile_overlayer_lowered  }
0x98: {  	s20 =	simm.s32 $0x1BFF;
	s19 =	sshll.u32 s3, $0x1;
	s0 =	sadd.s32 s17, s16  }
0x99: {  	s4 =	simm.s32 $0x0;
	s18 =	sshll.u32 s2, $0x1;
	s2 =	sadd.s32 s19, s0  }
0x9a: {  	[timem:s4], [sflag:s20] =	dma.local [hbm:s2], s18  }
0x9b: {  	_ =	swait.ge [sflag:s20], s18  }
0x9c: {  	s1 =	ssub.s32 $0x0, s18;
	[sflag:s20] =	ssyncset.done $0x0  }
0x9d: {  	[sflag:s20] =	ssyncadd.s32 s1;
	_ =	sdelay $0x1  }
0x9e: {  	s21 =	simm.s32 $0x1B8B  }
0x9f: {  	_ =	swait.ge [sflag:s21], $0x1  }
0xa0: {  	[sflag:s21] =	ssyncset.done $0x0  }
0xa1: {  	s23 =	simm.s32 $0x1B8E;
	s22 =	sld [smem:$0x3FFE];
	[sflag:s21] =	ssyncadd.s32 $0xFFFFFFFF  }
0xa2: {  	s24 =	simm.s32 $execute0_lowered;
	[smem:$0x3FD2] =	sst s23  }
0xa3: {  	s2 =	sshll.u32 s24, $0x1;
	_ =	strace $0x80000046;
	[dreg:$0x1] =	wrdreg $0xFFFFFFFF  }
0xa4: {  	s25 =	simm.s32 $_size_execute0_lowered;
	s0 =	sadd.s32 s0, s2;
	[dreg:$0x0] =	wrdreg $0x0  }
0xa5: {  	s2 =	sshll.u32 s25, $0x1;
	[dreg:$0x2] =	wrdreg s0  }
0xa6: {  	[dreg:$0x3] =	wrdreg s2  }
0xa7: {  	[dreg:$0x4] =	wrdreg $0xC0  }
0xa8: {  	_ =	task [dreg:s4], $0x5FFFF  }
0xa9: {  	[dreg:$0x1] =	wrdreg $0xFFFFFFFF  }
0xaa: {  	[dreg:$0x0] =	wrdreg $0x60  }
0xab: {  	[dreg:$0x2] =	wrdreg s22  }
0xac: {  	[dreg:$0x3] =	wrdreg $0x9  }
0xad: {  	_ =	task.clear_ibuf [dreg:s4], $0x4FFFF;
	_ =	strace $0x90000046  }
0xae: {  	s26 =	simm.s32 $0x9;
	_ =	strace $0x80000048  }
0xaf: {  	_ =	swait.ge [sflag:s26], $0x1  }
0xb0: {  	[sflag:s26] =	ssyncadd.s32 $0xFFFFFFFF  }
0xb1: {  	_ =	strace $0x90000048  }
0xb2: {  	_ =	sfence  }
0xb3: {  	s28 =	sld [smem:$0x0];
	_ =	sdelay $0x1  }
0xb4: {  	s29 =	srdreg.scid  }
0xb5: {  	s30 =	sshll.u32 s29, $0xD;
	s31 =	sshrl.u32 s29, $0x2  }
0xb6: {  	s1 =	sand.u32 $0x1, s29;
	s2 =	sand.u32 $0x4000, s30;
	s0 =	sadd.s32 s31, s28  }
0xb7: {  	s1 =	sor.u32 s2, s1;
	s0 =	sshll.u32 s0, $0x11  }
0xb8: {  	s0 =	sor.u32 s0, s1  }
0xb9: {  	s0 =	sadd.s32 $0x8F2B, s0  }
0xba: {  	[sflag:s0] =	ssyncadd.remote.s32 $0x1  }
0xbb: {  	_ =	sfence.sel $0xFFFF  }
0xbc: {  	[dreg:$0x0] =	wrdreg $0xFFFFFFFF;
	(pc) =	sbr.abs _section_cstart, $3  }
0xbd: {  	[dreg:$0x1] =	wrdreg $0xFFFFFFFF  }
0xbe: {  	_ =	task.clear_ibuf [dreg:s4], $0x2FFFF;
	_ =	strace $0x9FFFFFFF  }
0xbf: {  	(tm) =	ssettm $0x7FFFFFFF  }
tec
execute0_lowered:
.L_overlay_start_1:
0x0: {  	(tag) =	ssettag $0x1  }
0x1: {  	s0 =	stileid.u32  }
0x2: {  	s1 =	smin.u32 s0, $0x9  }
0x3: {  	s1 =	sadd.s32 s0, s1  }
0x4: {  	p0 =	slt.u32 s0, $0x9;
	s2 =	smul.u32 $0x50, s1;
	s1 =	simm.s32 $0xA0  }
0x5: {  	s1 =	simm.s32 @!p0 $0x50  }
0x6: {  	s1 =	sadd.s32 s1, s2  }
0x7: {  	s3 =	smin.u32 s1, $0x7D0  }
0x8: {  	s7 =	ssub.s32 s3, s2  }
0x9: {  	p0 =	sgt.s32 s7, $0x0  }
0xa: {  	s7 =	simm.s32 @!p0 $0x0  }
0xb: {  	s31 =	smul.u32 $0xCCCD, s7  }
0xc: {  	s4 =	rddreg [dreg:$0x0];
	s6 =	simm.s32 $0x1  }
0xd: {  	s10 =	simm.s32 $0x3;
	s13 =	simm.s32 $0x0;
	s8 =	sshrl.u32 s31, $0x16  }
0xe: {  	s12 =	simm.s32 $0x0;
	s5 =	sadd.s32 $0x200, s4;
	s9 =	smul.u32 $0x50, s8  }
.Ltmp0:
0xf: {  	s11 =	smov.u32 s2;
	s1 =	rddreg [dreg:$0x1];
	(pc) =	sbr.rel .LBB2_1-.Ltmp0, $4  }
0x10: {  	_ =	strace $0x80000047;
	p0 =	sne.s32 s7, s9;
	s9 =	simm.s32 $0x1  }
0x11: {  	[sflag:s6] =	ssyncpa.u1 $0x0;
	s7 =	simm.s32 $0x2;
	s9 =	simm.s32 @!p0 $0x0  }
0x12: {  	[sflag:s7] =	ssyncpa.u1 $0x0;
	p0 =	por $0x0, $0x0;
	s8 =	sadd.s32 s8, s9  }
0x13: {  	vm0 =	vmmov $0xff;
	vm1 =	vcmask $0x3F20;
	s9 =	sadd.s32 $0x1B200, s4;
	[sflag:s10] =	ssyncpa.u1 $0x0;
	s10 =	sadd.s32 $0x1, s8  }
.LBB2_6:
0x14: {  	[hbm:s17] =	stream.linear.scatter [tilespmem:s14], [sflag:$0x3], $0x400, $0x38;
	[tilespmem:$0x50A0] =	vst v63  }
.LBB2_7:
0x15: {  	s13 =	sadd.s32 $0x50, s11  }
0x16: {  	s15 =	smov.u32 s2;
	p2 =	slt.s32 s13, s3  }
0x17: {  	s15 =	smov.u32 @p2 s13;
	p2 =	sne.s32 s12, s10  }
.Ltmp1:
0x18: {  	p1 =	slt.u32 s12, $0x2;
	(pc) =	sbr.rel @!p2 .LBB2_8-.Ltmp1, $4  }
0x19: {  	s14 =	simm.s32 @!p1 $0x3  }
0x1a: {  	s16 =	sadd.s32 $0x1, s12;
	_ =	swait.ge @!p1 [sflag:s14], $0x2800  }
0x1b: {  	p0 =	por !p0, !p0;
	s13 =	smov.u32 s11;
	[sflag:s14] =	ssyncset.done @!p1 $0x0  }
0x1c: {  	s12 =	smov.u32 s16;
	s11 =	smov.u32 s15;
	[sflag:s14] =	ssyncadd.s32 @!p1 $0xFFFFD800  }
.LBB2_1:
0x1d: {  	p1 =	sge.u32 s12, s8  }
0x1e: {  	s14 =	sxor.u32 @!p1 $0xFFFFFFFF, s12  }
0x1f: {  	s14 =	sand.u32 @!p1 $0x1, s14  }
0x20: {  	s14 =	smul.u32 @!p1 $0x140, s14  }
0x21: {  	s31 =	sadd.s32 $0xFFFFFFFF, s12;
	s15 =	sshrl.u32 @!p1 s11, $0x3  }
0x22: {  	s16 =	sand.u32 @!p1 $0x7, s11;
	s15 =	sadd.s32 @!p1 s4, s15;
	s14 =	sshrl.u32 @!p1 s14, $0x2  }
0x23: {  	[tilespmem:s14], [sflag:$0x2] =	stream.linear.gather @!p1 [hbm4b:s15+s16], $0x50, $0x38;
	[tilespmem:$0x50A0] =	vst v63  }
0x24: {  	p1 =	sge.u32 s31, s8  }
.Ltmp2:
0x25: {  	_ = 	snop;
	(pc) =	sbr.rel @p1 .LBB2_7-.Ltmp2, $1  }
0x26: {  	_ =	sdelay $0x3  }
0x27: {  	s14 =	simm.s32 $0x1  }
0x28: {  	s14 =	simm.s32 @!p0 $0x0  }
0x29: {  	s15 =	smul.u32 $0x140, s14  }
0x2a: {  	_ =	swait.ge [sflag:s7], $0x50  }
0x2b: {  	[sflag:s7] =	ssyncset.done $0x0;
	s16 =	sshrl.u32 s15, $0x2  }
0x2c: {  	[sflag:s7] =	ssyncadd.s32 $0xFFFFFFB0;
	s15 =	sadd.s32 $0x0, s16  }
0x2d: {  	v0 =	vld.msk [tilespmem:s15+$0x0 ss:$0x1], $0xffff;
	_ =	sdelay $0x4  }
0x2e: {  	vm2 =	vgt.s32 v0, $0x0  }
0x2f: {  	v0 =	vnsel vm2, $0x0, v0  }
0x30: {  	v0 =	vmin.u32 v0, $0x1AFF  }
0x31: {  	v0 =	vshll.u32 v0, $0x4  }
0x32: {  	s14 =	smul.u32 $0xA000, s14;
	_ =	sdelay $0x1  }
0x33: {  	s14 =	sshrl.u32 s14, $0x2  }
0x34: {  	s14 =	sor.u32 $0xA0, s14  }
0x35: {  	[tilespmem:s14], [sflag:$0x1] =	stream.indirect_vreg.gather [hbm:s5], $0x80, v0, vm0, $0x38;
	[tilespmem:$0x50A0] =	vst v63  }
0x36: {  	s17 =	sadd.s32 $0x10, s16;
	s15 =	sadd.s32 $0x400, s14  }
0x37: {  	[tilespmem:s15], [sflag:$0x1] =	stream.indirect_vreg.gather [hbm:s5], $0x80, v0, vm1, $0x38;
	[tilespmem:$0x50A0] =	vst v63  }
0x38: {  	s18 =	simm.s32 $0x80;
	v0 =	vld.msk [tilespmem:s17+$0x0 ss:$0x1], $0xffff;
	s17 =	smov.u32 s14  }
.LBB2_3:
0x39: {  	p1 =	sne.s32 s18, $0x100;
	_ =	sdelay $0x4  }
0x3a: {  	vm2 =	vgt.s32 v0, $0x0  }
0x3b: {  	v0 =	vnsel vm2, $0x0, v0  }
0x3c: {  	v0 =	vmin.u32 v0, $0x1AFF  }
0x3d: {  	v0 =	vshll.u32 v0, $0x4;
	_ =	sdelay $0x3  }
.Ltmp3:
0x3e: {  	s19 =	sshra.s32 s18, $0x2;
	s17 =	sadd.s32 $0x800, s17;
	(pc) =	sbr.rel @p1 .LBB2_3-.Ltmp3, $4  }
0x3f: {  	[tilespmem:s17], [sflag:$0x1] =	stream.indirect_vreg.gather [hbm:s5], $0x80, v0, vm0, $0x38;
	[tilespmem:$0x50A0] =	vst v63  }
0x40: {  	s19 =	sadd.s32 s19, s16;
	s20 =	sadd.s32 $0x400, s17  }
0x41: {  	[tilespmem:s20], [sflag:$0x1] =	stream.indirect_vreg.gather [hbm:s5], $0x80, v0, vm1, $0x38;
	[tilespmem:$0x50A0] =	vst v63  }
0x42: {  	s18 =	sadd.s32 $0x40, s18;
	v0 =	vld.msk [tilespmem:s19+$0x0 ss:$0x1], $0xffff  }
0x43: {  	_ =	sdelay $0x3  }
0x44: {  	vm2 =	vgt.s32 v0, $0x0  }
0x45: {  	v0 =	vnsel vm2, $0x0, v0  }
0x46: {  	v0 =	vmin.u32 v0, $0x1AFF  }
0x47: {  	v0 =	vshll.u32 v0, $0x4;
	_ =	sdelay $0x3  }
0x48: {  	s16 =	sadd.s32 $0x800, s17  }
0x49: {  	[tilespmem:s16], [sflag:$0x1] =	stream.indirect_vreg.gather [hbm:s5], $0x80, v0, vm0, $0x38;
	[tilespmem:$0x50A0] =	vst v63  }
0x4a: {  	s16 =	sadd.s32 $0x400, s16  }
0x4b: {  	[tilespmem:s16], [sflag:$0x1] =	stream.indirect_vreg.gather [hbm:s5], $0x80, v0, vm1, $0x38;
	[tilespmem:$0x50A0] =	vst v63  }
0x4c: {  	s13 =	sshll.u32 s13, $0x4;
	_ =	swait.ge [sflag:s6], $0x2800  }
0x4d: {  	s13 =	sadd.s32 s13, s9;
	[sflag:s6] =	ssyncset.done $0x0  }
0x4e: {  	s17 =	sadd.s32 $0x0, s13;
	s16 =	simm.s32 $0x80;
	[sflag:s6] =	ssyncadd.s32 $0xFFFFD800  }
.LBB2_5:
0x4f: {  	[hbm:s17] =	stream.linear.scatter [tilespmem:s14], [sflag:$0x3], $0x400, $0x38;
	[tilespmem:$0x50A0] =	vst v63  }
0x50: {  	s17 =	smov.u32 s16;
	s14 =	smov.u32 s15;
	p1 =	sne.s32 s16, $0x480  }
.Ltmp4:
0x51: {  	s16 =	sadd.s32 $0x80, s16;
	(pc) =	sbr.rel @p1 .LBB2_5-.Ltmp4, $2  }
0x52: {  	_ =	sdelay $0x2  }
0x53: {  	s15 =	sadd.s32 $0x400, s15;
	s17 =	sadd.s32 s17, s13  }
.Ltmp5:
0x54: {  	_ = 	snop;
	(pc) =	sbr.rel .LBB2_6-.Ltmp5, $1  }
0x55: {  	_ =	sdelay $0x3  }
.LBB2_8:
0x56: {  	_ =	sfence.sel $0x180000  }
0x57: {  	s2 =	simm.s32 $0x2;
	[bflag:$0x0] =	sbarrier.arrive $0xFFFF  }
0x58: {  	s30 =	simm.s32 $0x3;
	[sflag:s2] =	ssyncpa.u1 $0x1  }
0x59: {  	s31 =	simm.s32 $0x1;
	[sflag:s30] =	ssyncpa.u1 $0x1  }
0x5a: {  	[sflag:s31] =	ssyncpa.u1 $0x1  }
0x5b: {  	p0 =	sne.s32 s0, $0x0;
	_ =	strace $0x90000047  }
0x5c: {  	s0 =	sadd.s32 @!p0 $0x100000, s1;
	[bflag:$0x2] =	sbarrier.arrive $0xFFFF  }
0x5d: {  	[sflag:s0] =	ssyncadd.tile.s32 @!p0 $0x1;
	_ =	shalt  }
.Lfunc_end2:
_tile_overlayer_lowered:
.L_overlay_start_2:
0x5e: {  	(tag) =	ssettag $0x2  }
0x5f: {  	s0 =	rddreg [dreg:$0x0];
	s2 =	stileid.u32  }
0x60: {  	s1 =	rddreg [dreg:$0x1];
	p0 =	sne.s32 s2, $0x0  }
0x61: {  	s3 =	rddreg [dreg:$0x2];
	[bflag:$0x3] =	sbarrier.arrive $0xFFFF;
	s2 =	simm.s32 @!p0 $0x1C01  }
0x62: {  	[timem:s3], [sflag:s2] =	dma.local @!p0 [hbm:s0], s1  }
0x63: {  	s0 =	simm.s32 @!p0 $0x1  }
0x64: {  	_ =	swait.ge @!p0 [sflag:s0], s1  }
0x65: {  	s1 =	ssub.s32 @!p0 $0x0, s1;
	[sflag:s0] =	ssyncset.done @!p0 $0x0  }
0x66: {  	[sflag:s0] =	ssyncadd.s32 @!p0 s1  }
0x67: {  	[bflag:$0x3] =	sbarrier.arrive $0xFFFF  }
0x68: {  	_ =	shalt  }

</sc_bundles>
